<compile_context>
chip_gen: v7x
topology: tpu7x:2x2x1
jax: 0.10.2.dev20260603
libtpu: 0.0.44.dev20260713+nightly
codegen_flags: <defaults>
</compile_context>

<pallas_src>
import functools

import jax
import jax.numpy as jnp
from jax import lax
from jax.experimental import pallas as pl
from jax.experimental.pallas import tpu as pltpu
from jax.experimental.pallas import tpu_sc as plsc

_NUM_ITEMS = 1000000
_EMBED_DIM = 64
_BATCH = 4096
_HIST = 50
_B = _BATCH * _HIST

_INFO = plsc.get_sparse_core_info()
_NC = _INFO.num_cores
_NS = _INFO.num_subcores
_NW = _NC * _NS
_BPW = _B // _NW
_CHUNK = 128
_NCHUNK = _BPW // _CHUNK
_NBUF = 6
_LEAD = 3
_NSTEP = (_NCHUNK + _LEAD + _NBUF - 1) // _NBUF

_mesh = plsc.VectorSubcoreMesh(core_axis_name="c", subcore_axis_name="s")


@functools.partial(
    pl.kernel,
    mesh=_mesh,
    out_type=jax.ShapeDtypeStruct((_B, _EMBED_DIM), jnp.float32),
    scratch_types=(
        [pltpu.VMEM((_BPW,), jnp.int32)]
        + [pltpu.VMEM((_CHUNK, _EMBED_DIM), jnp.float32) for _ in range(_NBUF)]
        + [pltpu.SemaphoreType.DMA for _ in range(2 * _NBUF)]
    ),
    compiler_params=pltpu.CompilerParams(use_tc_tiling_on_sc=False),
)
def _gather_kernel(idx_hbm, table_hbm, out_hbm, idx_v, *scratch):
    bufs = scratch[:_NBUF]
    gsem = scratch[_NBUF:2 * _NBUF]
    osem = scratch[2 * _NBUF:]
    wid = lax.axis_index("s") * _NC + lax.axis_index("c")
    base = wid * _BPW
    pltpu.sync_copy(idx_hbm.at[pl.ds(base, _BPW)], idx_v)

    def step(t, carry):
        for b in range(_NBUF):
            j = t * _NBUF + b
            jm = j - _LEAD
            bb = (b - _LEAD) % _NBUF

            @pl.when(jnp.logical_and(t >= 1, j < _NCHUNK))
            def _():
                pltpu.make_async_copy(
                    bufs[b],
                    out_hbm.at[pl.ds(base + (j - _NBUF) * _CHUNK, _CHUNK)],
                    osem[b],
                ).wait()

            @pl.when(j < _NCHUNK)
            def _():
                pltpu.async_copy(
                    table_hbm.at[idx_v.at[pl.ds(j * _CHUNK, _CHUNK)]],
                    bufs[b],
                    gsem[b],
                )

            @pl.when(jnp.logical_and(jm >= 0, jm < _NCHUNK))
            def _():
                pltpu.make_async_copy(
                    table_hbm.at[idx_v.at[pl.ds(jm * _CHUNK, _CHUNK)]],
                    bufs[bb],
                    gsem[bb],
                ).wait()
                pltpu.async_copy(
                    bufs[bb],
                    out_hbm.at[pl.ds(base + jm * _CHUNK, _CHUNK)],
                    osem[bb],
                )
        return carry

    lax.fori_loop(0, _NSTEP, step, 0)

    for b in range(_NBUF):
        k = _NCHUNK - _NBUF + b
        pltpu.make_async_copy(
            bufs[b],
            out_hbm.at[pl.ds(base + k * _CHUNK, _CHUNK)],
            osem[b],
        ).wait()


def kernel(x, table):
    flat_idx = x.reshape(_B).astype(jnp.int32)
    out = _gather_kernel(flat_idx, table)
    return out.reshape(_BATCH, _HIST, _EMBED_DIM)

# --- scband reference (transcript-rebuilt; emitter-appended) ---
"""Pipeline reference for scband-pretrained-embedding-89610197664225 (READ-ONLY COPY).

The authoritative reference and input builder live on the scoring server;
editing this copy changes nothing except your own understanding.
"""

import jax, jax.numpy as jnp
import numpy as np

NUM_ITEMS = 1000000
EMBED_DIM = 64
BATCH = 4096
HIST = 50

def setup_inputs(seed: int = 0) -> dict:
    key = jax.random.key(seed)
    k1, k2 = jax.random.split(key)
    x = jax.random.randint(k1, (BATCH, HIST), 0, NUM_ITEMS, dtype=jnp.int64 if jax.config.jax_enable_x64 else jnp.int32)
    # xavier_uniform init for the embedding table: bound = sqrt(6/(fan_in+fan_out))
    bound = float(np.sqrt(6.0 / (NUM_ITEMS + EMBED_DIM)))
    table = jax.random.uniform(k2, (NUM_ITEMS, EMBED_DIM), dtype=jnp.float32, minval=-bound, maxval=bound)
    return {"x": x, "table": table}

def reference(x, table):
    # nn.Embedding forward: row gather from the table
    return jnp.take(table, x, axis=0)

if __name__ == "__main__":
    import jax
    _d = setup_inputs()
    print(jax.jit(kernel)(*tuple(_d.values())))

</pallas_src>

<mosaic_0001>
#map = affine_map<(d0, d1) -> (0)>
#map1 = affine_map<(d0, d1) -> (0, 0)>
module attributes {stable_mosaic.version = 14 : i64} {
  func.func @_gather_kernel(%arg0: i32, %arg1: i32, %arg2: memref<204800xi32, #tpu.memory_space<hbm>>, %arg3: memref<1000000x64xf32, #tpu.memory_space<hbm>>, %arg4: memref<204800x64xf32, #tpu.memory_space<hbm>>, %arg5: memref<6400xi32, #tpu.memory_space<vmem>>, %arg6: memref<128x64xf32, #tpu.memory_space<vmem>>, %arg7: memref<128x64xf32, #tpu.memory_space<vmem>>, %arg8: memref<128x64xf32, #tpu.memory_space<vmem>>, %arg9: memref<128x64xf32, #tpu.memory_space<vmem>>, %arg10: memref<128x64xf32, #tpu.memory_space<vmem>>, %arg11: memref<128x64xf32, #tpu.memory_space<vmem>>, %arg12: memref<!tpu.dma_semaphore, #tpu.memory_space<semaphore_mem>>, %arg13: memref<!tpu.dma_semaphore, #tpu.memory_space<semaphore_mem>>, %arg14: memref<!tpu.dma_semaphore, #tpu.memory_space<semaphore_mem>>, %arg15: memref<!tpu.dma_semaphore, #tpu.memory_space<semaphore_mem>>, %arg16: memref<!tpu.dma_semaphore, #tpu.memory_space<semaphore_mem>>, %arg17: memref<!tpu.dma_semaphore, #tpu.memory_space<semaphore_mem>>, %arg18: memref<!tpu.dma_semaphore, #tpu.memory_space<semaphore_mem>>, %arg19: memref<!tpu.dma_semaphore, #tpu.memory_space<semaphore_mem>>, %arg20: memref<!tpu.dma_semaphore, #tpu.memory_space<semaphore_mem>>, %arg21: memref<!tpu.dma_semaphore, #tpu.memory_space<semaphore_mem>>, %arg22: memref<!tpu.dma_semaphore, #tpu.memory_space<semaphore_mem>>, %arg23: memref<!tpu.dma_semaphore, #tpu.memory_space<semaphore_mem>>) attributes {dimension_semantics = [#tpu.dimension_semantics<core_parallel>, #tpu.dimension_semantics<subcore_parallel>], iteration_bounds = array<i64: 2, 16>, scalar_prefetch = 0 : i64, scratch_operands = 19 : i64, tpu.core_type = #tpu.core_type<sc_vector_subcore>, window_params = [{transform_indices = #map}, {transform_indices = #map1}, {transform_indices = #map1}]} {
    %mul3A = arith.constant 2 : i32
    %mul3A_0 = arith.muli %arg1, %mul3A : i32
    %add3A = arith.addi %mul3A_0, %arg0 : i32
    %mul3A_1 = arith.constant 6400 : i32
    %mul3A_2 = arith.muli %add3A, %mul3A_1 : i32
    "tpu.region"() ({
      %run_scoped3A = tpu.sem_alloc : memref<!tpu.dma_semaphore, #tpu.memory_space<semaphore_mem>>
      %dma_start3A = tpu.memref_slice %arg2[%mul3A_2] : memref<204800xi32, #tpu.memory_space<hbm>> -> memref<6400xi32, #tpu.memory_space<hbm>>
      %dma_start3A_43 = tpu.memref_slice %arg2[%mul3A_2] : memref<204800xi32, #tpu.memory_space<hbm>> -> memref<6400xi32, #tpu.memory_space<hbm>>
      tpu.enqueue_dma source(%dma_start3A_43 : memref<6400xi32, #tpu.memory_space<hbm>>) target(%arg5 : memref<6400xi32, #tpu.memory_space<vmem>>) target_semaphore(%run_scoped3A : memref<!tpu.dma_semaphore, #tpu.memory_space<semaphore_mem>>)
      %dma_wait3A_44 = tpu.memref_slice %arg2[%mul3A_2] : memref<204800xi32, #tpu.memory_space<hbm>> -> memref<6400xi32, #tpu.memory_space<hbm>>
      %dma_wait3A_45 = tpu.memref_slice %arg2[%mul3A_2] : memref<204800xi32, #tpu.memory_space<hbm>> -> memref<6400xi32, #tpu.memory_space<hbm>>
      tpu.wait_dma2 semaphore(%run_scoped3A : memref<!tpu.dma_semaphore, #tpu.memory_space<semaphore_mem>>) src(%dma_wait3A_45 : memref<6400xi32, #tpu.memory_space<hbm>>) dst(%arg5 : memref<6400xi32, #tpu.memory_space<vmem>>)
      tpu.yield
    }) : () -> ()
    %scan3A = arith.constant 0 : i32
    %scan3A_3 = arith.constant 0 : i32
    %scan3A_4 = arith.constant 9 : i32
    %scan3A_5 = arith.addi %scan3A_3, %scan3A_4 : i32
    %scan3A_6 = arith.constant 1 : i32
    scf.for %scan3A_43 = %scan3A_3 to %scan3A_5 step %scan3A_6  : i32 {
      %mul3A_44 = arith.constant 6 : i32
      %mul3A_45 = arith.muli %scan3A_43, %mul3A_44 : i32
      %add3A_46 = arith.constant 0 : i32
      %add3A_47 = arith.addi %mul3A_45, %add3A_46 : i32
      %sub3A = arith.constant 3 : i32
      %sub3A_48 = arith.subi %add3A_47, %sub3A : i32
      %ge3A = arith.constant 1 : i32
      %ge3A_49 = arith.cmpi sge, %scan3A_43, %ge3A : i32
      %lt3A = arith.constant 50 : i32
      %lt3A_50 = arith.cmpi slt, %add3A_47, %lt3A : i32
      %and3A = arith.andi %ge3A_49, %lt3A_50 : i1
      %convert_element_type3A = arith.extui %and3A : i1 to i32
      %cond3A = arith.constant 0 : i32
      %cond3A_51 = arith.cmpi ne, %convert_element_type3A, %cond3A : i32
      scf.if %cond3A_51 {
        %sub3A_200 = arith.constant 6 : i32
        %sub3A_201 = arith.subi %add3A_47, %sub3A_200 : i32
        %mul3A_202 = arith.constant 128 : i32
        %mul3A_203 = arith.muli %sub3A_201, %mul3A_202 : i32
        %add3A_204 = arith.addi %mul3A_2, %mul3A_203 : i32
        %dma_wait3A_205 = arith.constant 0 : i32
        %dma_wait3A_206 = tpu.memref_slice %arg4[%add3A_204, %dma_wait3A_205] : memref<204800x64xf32, #tpu.memory_space<hbm>> -> memref<128x64xf32, #tpu.memory_space<hbm>>
        %dma_wait3A_207 = arith.constant 0 : i32
        %dma_wait3A_208 = tpu.memref_slice %arg4[%add3A_204, %dma_wait3A_207] : memref<204800x64xf32, #tpu.memory_space<hbm>> -> memref<128x64xf32, #tpu.memory_space<hbm>>
        tpu.wait_dma2 semaphore(%arg18 : memref<!tpu.dma_semaphore, #tpu.memory_space<semaphore_mem>>) src(%arg6 : memref<128x64xf32, #tpu.memory_space<vmem>>) dst(%dma_wait3A_208 : memref<128x64xf32, #tpu.memory_space<hbm>>)
      } else {
      }
      %lt3A_52 = arith.constant 50 : i32
      %lt3A_53 = arith.cmpi slt, %add3A_47, %lt3A_52 : i32
      %convert_element_type3A_54 = arith.extui %lt3A_53 : i1 to i32
      %cond3A_55 = arith.constant 0 : i32
      %cond3A_56 = arith.cmpi ne, %convert_element_type3A_54, %cond3A_55 : i32
      scf.if %cond3A_56 {
        %mul3A_200 = arith.constant 128 : i32
        %mul3A_201 = arith.muli %add3A_47, %mul3A_200 : i32
        %dma_start3A = tpu.memref_slice %arg5[%mul3A_201] : memref<6400xi32, #tpu.memory_space<vmem>> -> memref<128xi32, #tpu.memory_space<vmem>>
        %dma_start3A_202 = arith.constant 0 : i32
        %dma_start3A_203 = arith.constant 0 : i32
        %dma_start3A_204 = tpu.memref_slice %arg3[%dma_start3A_202, %dma_start3A_203] : memref<1000000x64xf32, #tpu.memory_space<hbm>> -> memref<1000000x64xf32, #tpu.memory_space<hbm>>
        tpu.enqueue_indirect_dma source(%dma_start3A_204 : memref<1000000x64xf32, #tpu.memory_space<hbm>>) target(%arg6 : memref<128x64xf32, #tpu.memory_space<vmem>>) offsets(%dma_start3A : memref<128xi32, #tpu.memory_space<vmem>>) semaphore(%arg12 : memref<!tpu.dma_semaphore, #tpu.memory_space<semaphore_mem>>)
      } else {
      }
      %ge3A_57 = arith.constant 0 : i32
      %ge3A_58 = arith.cmpi sge, %sub3A_48, %ge3A_57 : i32
      %lt3A_59 = arith.constant 50 : i32
      %lt3A_60 = arith.cmpi slt, %sub3A_48, %lt3A_59 : i32
      %and3A_61 = arith.andi %ge3A_58, %lt3A_60 : i1
      %convert_element_type3A_62 = arith.extui %and3A_61 : i1 to i32
      %cond3A_63 = arith.constant 0 : i32
      %cond3A_64 = arith.cmpi ne, %convert_element_type3A_62, %cond3A_63 : i32
      scf.if %cond3A_64 {
        %mul3A_200 = arith.constant 128 : i32
        %mul3A_201 = arith.muli %sub3A_48, %mul3A_200 : i32
        %dma_wait3A_202 = tpu.memref_slice %arg5[%mul3A_201] : memref<6400xi32, #tpu.memory_space<vmem>> -> memref<128xi32, #tpu.memory_space<vmem>>
        %dma_wait3A_203 = arith.constant 0 : i32
        %dma_wait3A_204 = arith.constant 0 : i32
        %dma_wait3A_205 = tpu.memref_slice %arg3[%dma_wait3A_203, %dma_wait3A_204] : memref<1000000x64xf32, #tpu.memory_space<hbm>> -> memref<1000000x64xf32, #tpu.memory_space<hbm>>
        tpu.wait_indirect_dma semaphore(%arg15 : memref<!tpu.dma_semaphore, #tpu.memory_space<semaphore_mem>>) src(%dma_wait3A_205 : memref<1000000x64xf32, #tpu.memory_space<hbm>>) dst(%arg9 : memref<128x64xf32, #tpu.memory_space<vmem>>)
        %mul3A_206 = arith.constant 128 : i32
        %mul3A_207 = arith.muli %sub3A_48, %mul3A_206 : i32
        %add3A_208 = arith.addi %mul3A_2, %mul3A_207 : i32
        %dma_start3A = arith.constant 0 : i32
        %dma_start3A_209 = tpu.memref_slice %arg4[%add3A_208, %dma_start3A] : memref<204800x64xf32, #tpu.memory_space<hbm>> -> memref<128x64xf32, #tpu.memory_space<hbm>>
        %dma_start3A_210 = arith.constant 0 : i32
        %dma_start3A_211 = tpu.memref_slice %arg4[%add3A_208, %dma_start3A_210] : memref<204800x64xf32, #tpu.memory_space<hbm>> -> memref<128x64xf32, #tpu.memory_space<hbm>>
        tpu.enqueue_dma source(%arg9 : memref<128x64xf32, #tpu.memory_space<vmem>>) target(%dma_start3A_211 : memref<128x64xf32, #tpu.memory_space<hbm>>) target_semaphore(%arg21 : memref<!tpu.dma_semaphore, #tpu.memory_space<semaphore_mem>>)
      } else {
      }
      %mul3A_65 = arith.constant 6 : i32
      %mul3A_66 = arith.muli %scan3A_43, %mul3A_65 : i32
      %add3A_67 = arith.constant 1 : i32
      %add3A_68 = arith.addi %mul3A_66, %add3A_67 : i32
      %sub3A_69 = arith.constant 3 : i32
      %sub3A_70 = arith.subi %add3A_68, %sub3A_69 : i32
      %ge3A_71 = arith.constant 1 : i32
      %ge3A_72 = arith.cmpi sge, %scan3A_43, %ge3A_71 : i32
      %lt3A_73 = arith.constant 50 : i32
      %lt3A_74 = arith.cmpi slt, %add3A_68, %lt3A_73 : i32
      %and3A_75 = arith.andi %ge3A_72, %lt3A_74 : i1
      %convert_element_type3A_76 = arith.extui %and3A_75 : i1 to i32
      %cond3A_77 = arith.constant 0 : i32
      %cond3A_78 = arith.cmpi ne, %convert_element_type3A_76, %cond3A_77 : i32
      scf.if %cond3A_78 {
        %sub3A_200 = arith.constant 6 : i32
        %sub3A_201 = arith.subi %add3A_68, %sub3A_200 : i32
        %mul3A_202 = arith.constant 128 : i32
        %mul3A_203 = arith.muli %sub3A_201, %mul3A_202 : i32
        %add3A_204 = arith.addi %mul3A_2, %mul3A_203 : i32
        %dma_wait3A_205 = arith.constant 0 : i32
        %dma_wait3A_206 = tpu.memref_slice %arg4[%add3A_204, %dma_wait3A_205] : memref<204800x64xf32, #tpu.memory_space<hbm>> -> memref<128x64xf32, #tpu.memory_space<hbm>>
        %dma_wait3A_207 = arith.constant 0 : i32
        %dma_wait3A_208 = tpu.memref_slice %arg4[%add3A_204, %dma_wait3A_207] : memref<204800x64xf32, #tpu.memory_space<hbm>> -> memref<128x64xf32, #tpu.memory_space<hbm>>
        tpu.wait_dma2 semaphore(%arg19 : memref<!tpu.dma_semaphore, #tpu.memory_space<semaphore_mem>>) src(%arg7 : memref<128x64xf32, #tpu.memory_space<vmem>>) dst(%dma_wait3A_208 : memref<128x64xf32, #tpu.memory_space<hbm>>)
      } else {
      }
      %lt3A_79 = arith.constant 50 : i32
      %lt3A_80 = arith.cmpi slt, %add3A_68, %lt3A_79 : i32
      %convert_element_type3A_81 = arith.extui %lt3A_80 : i1 to i32
      %cond3A_82 = arith.constant 0 : i32
      %cond3A_83 = arith.cmpi ne, %convert_element_type3A_81, %cond3A_82 : i32
      scf.if %cond3A_83 {
        %mul3A_200 = arith.constant 128 : i32
        %mul3A_201 = arith.muli %add3A_68, %mul3A_200 : i32
        %dma_start3A = tpu.memref_slice %arg5[%mul3A_201] : memref<6400xi32, #tpu.memory_space<vmem>> -> memref<128xi32, #tpu.memory_space<vmem>>
        %dma_start3A_202 = arith.constant 0 : i32
        %dma_start3A_203 = arith.constant 0 : i32
        %dma_start3A_204 = tpu.memref_slice %arg3[%dma_start3A_202, %dma_start3A_203] : memref<1000000x64xf32, #tpu.memory_space<hbm>> -> memref<1000000x64xf32, #tpu.memory_space<hbm>>
        tpu.enqueue_indirect_dma source(%dma_start3A_204 : memref<1000000x64xf32, #tpu.memory_space<hbm>>) target(%arg7 : memref<128x64xf32, #tpu.memory_space<vmem>>) offsets(%dma_start3A : memref<128xi32, #tpu.memory_space<vmem>>) semaphore(%arg13 : memref<!tpu.dma_semaphore, #tpu.memory_space<semaphore_mem>>)
      } else {
      }
      %ge3A_84 = arith.constant 0 : i32
      %ge3A_85 = arith.cmpi sge, %sub3A_70, %ge3A_84 : i32
      %lt3A_86 = arith.constant 50 : i32
      %lt3A_87 = arith.cmpi slt, %sub3A_70, %lt3A_86 : i32
      %and3A_88 = arith.andi %ge3A_85, %lt3A_87 : i1
      %convert_element_type3A_89 = arith.extui %and3A_88 : i1 to i32
      %cond3A_90 = arith.constant 0 : i32
      %cond3A_91 = arith.cmpi ne, %convert_element_type3A_89, %cond3A_90 : i32
      scf.if %cond3A_91 {
        %mul3A_200 = arith.constant 128 : i32
        %mul3A_201 = arith.muli %sub3A_70, %mul3A_200 : i32
        %dma_wait3A_202 = tpu.memref_slice %arg5[%mul3A_201] : memref<6400xi32, #tpu.memory_space<vmem>> -> memref<128xi32, #tpu.memory_space<vmem>>
        %dma_wait3A_203 = arith.constant 0 : i32
        %dma_wait3A_204 = arith.constant 0 : i32
        %dma_wait3A_205 = tpu.memref_slice %arg3[%dma_wait3A_203, %dma_wait3A_204] : memref<1000000x64xf32, #tpu.memory_space<hbm>> -> memref<1000000x64xf32, #tpu.memory_space<hbm>>
        tpu.wait_indirect_dma semaphore(%arg16 : memref<!tpu.dma_semaphore, #tpu.memory_space<semaphore_mem>>) src(%dma_wait3A_205 : memref<1000000x64xf32, #tpu.memory_space<hbm>>) dst(%arg10 : memref<128x64xf32, #tpu.memory_space<vmem>>)
        %mul3A_206 = arith.constant 128 : i32
        %mul3A_207 = arith.muli %sub3A_70, %mul3A_206 : i32
        %add3A_208 = arith.addi %mul3A_2, %mul3A_207 : i32
        %dma_start3A = arith.constant 0 : i32
        %dma_start3A_209 = tpu.memref_slice %arg4[%add3A_208, %dma_start3A] : memref<204800x64xf32, #tpu.memory_space<hbm>> -> memref<128x64xf32, #tpu.memory_space<hbm>>
        %dma_start3A_210 = arith.constant 0 : i32
        %dma_start3A_211 = tpu.memref_slice %arg4[%add3A_208, %dma_start3A_210] : memref<204800x64xf32, #tpu.memory_space<hbm>> -> memref<128x64xf32, #tpu.memory_space<hbm>>
        tpu.enqueue_dma source(%arg10 : memref<128x64xf32, #tpu.memory_space<vmem>>) target(%dma_start3A_211 : memref<128x64xf32, #tpu.memory_space<hbm>>) target_semaphore(%arg22 : memref<!tpu.dma_semaphore, #tpu.memory_space<semaphore_mem>>)
      } else {
      }
      %mul3A_92 = arith.constant 6 : i32
      %mul3A_93 = arith.muli %scan3A_43, %mul3A_92 : i32
      %add3A_94 = arith.constant 2 : i32
      %add3A_95 = arith.addi %mul3A_93, %add3A_94 : i32
      %sub3A_96 = arith.constant 3 : i32
      %sub3A_97 = arith.subi %add3A_95, %sub3A_96 : i32
      %ge3A_98 = arith.constant 1 : i32
      %ge3A_99 = arith.cmpi sge, %scan3A_43, %ge3A_98 : i32
      %lt3A_100 = arith.constant 50 : i32
      %lt3A_101 = arith.cmpi slt, %add3A_95, %lt3A_100 : i32
      %and3A_102 = arith.andi %ge3A_99, %lt3A_101 : i1
      %convert_element_type3A_103 = arith.extui %and3A_102 : i1 to i32
      %cond3A_104 = arith.constant 0 : i32
      %cond3A_105 = arith.cmpi ne, %convert_element_type3A_103, %cond3A_104 : i32
      scf.if %cond3A_105 {
        %sub3A_200 = arith.constant 6 : i32
        %sub3A_201 = arith.subi %add3A_95, %sub3A_200 : i32
        %mul3A_202 = arith.constant 128 : i32
        %mul3A_203 = arith.muli %sub3A_201, %mul3A_202 : i32
        %add3A_204 = arith.addi %mul3A_2, %mul3A_203 : i32
        %dma_wait3A_205 = arith.constant 0 : i32
        %dma_wait3A_206 = tpu.memref_slice %arg4[%add3A_204, %dma_wait3A_205] : memref<204800x64xf32, #tpu.memory_space<hbm>> -> memref<128x64xf32, #tpu.memory_space<hbm>>
        %dma_wait3A_207 = arith.constant 0 : i32
        %dma_wait3A_208 = tpu.memref_slice %arg4[%add3A_204, %dma_wait3A_207] : memref<204800x64xf32, #tpu.memory_space<hbm>> -> memref<128x64xf32, #tpu.memory_space<hbm>>
        tpu.wait_dma2 semaphore(%arg20 : memref<!tpu.dma_semaphore, #tpu.memory_space<semaphore_mem>>) src(%arg8 : memref<128x64xf32, #tpu.memory_space<vmem>>) dst(%dma_wait3A_208 : memref<128x64xf32, #tpu.memory_space<hbm>>)
      } else {
      }
      %lt3A_106 = arith.constant 50 : i32
      %lt3A_107 = arith.cmpi slt, %add3A_95, %lt3A_106 : i32
      %convert_element_type3A_108 = arith.extui %lt3A_107 : i1 to i32
      %cond3A_109 = arith.constant 0 : i32
      %cond3A_110 = arith.cmpi ne, %convert_element_type3A_108, %cond3A_109 : i32
      scf.if %cond3A_110 {
        %mul3A_200 = arith.constant 128 : i32
        %mul3A_201 = arith.muli %add3A_95, %mul3A_200 : i32
        %dma_start3A = tpu.memref_slice %arg5[%mul3A_201] : memref<6400xi32, #tpu.memory_space<vmem>> -> memref<128xi32, #tpu.memory_space<vmem>>
        %dma_start3A_202 = arith.constant 0 : i32
        %dma_start3A_203 = arith.constant 0 : i32
        %dma_start3A_204 = tpu.memref_slice %arg3[%dma_start3A_202, %dma_start3A_203] : memref<1000000x64xf32, #tpu.memory_space<hbm>> -> memref<1000000x64xf32, #tpu.memory_space<hbm>>
        tpu.enqueue_indirect_dma source(%dma_start3A_204 : memref<1000000x64xf32, #tpu.memory_space<hbm>>) target(%arg8 : memref<128x64xf32, #tpu.memory_space<vmem>>) offsets(%dma_start3A : memref<128xi32, #tpu.memory_space<vmem>>) semaphore(%arg14 : memref<!tpu.dma_semaphore, #tpu.memory_space<semaphore_mem>>)
      } else {
      }
      %ge3A_111 = arith.constant 0 : i32
      %ge3A_112 = arith.cmpi sge, %sub3A_97, %ge3A_111 : i32
      %lt3A_113 = arith.constant 50 : i32
      %lt3A_114 = arith.cmpi slt, %sub3A_97, %lt3A_113 : i32
      %and3A_115 = arith.andi %ge3A_112, %lt3A_114 : i1
      %convert_element_type3A_116 = arith.extui %and3A_115 : i1 to i32
      %cond3A_117 = arith.constant 0 : i32
      %cond3A_118 = arith.cmpi ne, %convert_element_type3A_116, %cond3A_117 : i32
      scf.if %cond3A_118 {
        %mul3A_200 = arith.constant 128 : i32
        %mul3A_201 = arith.muli %sub3A_97, %mul3A_200 : i32
        %dma_wait3A_202 = tpu.memref_slice %arg5[%mul3A_201] : memref<6400xi32, #tpu.memory_space<vmem>> -> memref<128xi32, #tpu.memory_space<vmem>>
        %dma_wait3A_203 = arith.constant 0 : i32
        %dma_wait3A_204 = arith.constant 0 : i32
        %dma_wait3A_205 = tpu.memref_slice %arg3[%dma_wait3A_203, %dma_wait3A_204] : memref<1000000x64xf32, #tpu.memory_space<hbm>> -> memref<1000000x64xf32, #tpu.memory_space<hbm>>
        tpu.wait_indirect_dma semaphore(%arg17 : memref<!tpu.dma_semaphore, #tpu.memory_space<semaphore_mem>>) src(%dma_wait3A_205 : memref<1000000x64xf32, #tpu.memory_space<hbm>>) dst(%arg11 : memref<128x64xf32, #tpu.memory_space<vmem>>)
        %mul3A_206 = arith.constant 128 : i32
        %mul3A_207 = arith.muli %sub3A_97, %mul3A_206 : i32
        %add3A_208 = arith.addi %mul3A_2, %mul3A_207 : i32
        %dma_start3A = arith.constant 0 : i32
        %dma_start3A_209 = tpu.memref_slice %arg4[%add3A_208, %dma_start3A] : memref<204800x64xf32, #tpu.memory_space<hbm>> -> memref<128x64xf32, #tpu.memory_space<hbm>>
        %dma_start3A_210 = arith.constant 0 : i32
        %dma_start3A_211 = tpu.memref_slice %arg4[%add3A_208, %dma_start3A_210] : memref<204800x64xf32, #tpu.memory_space<hbm>> -> memref<128x64xf32, #tpu.memory_space<hbm>>
        tpu.enqueue_dma source(%arg11 : memref<128x64xf32, #tpu.memory_space<vmem>>) target(%dma_start3A_211 : memref<128x64xf32, #tpu.memory_space<hbm>>) target_semaphore(%arg23 : memref<!tpu.dma_semaphore, #tpu.memory_space<semaphore_mem>>)
      } else {
      }
      %mul3A_119 = arith.constant 6 : i32
      %mul3A_120 = arith.muli %scan3A_43, %mul3A_119 : i32
      %add3A_121 = arith.constant 3 : i32
      %add3A_122 = arith.addi %mul3A_120, %add3A_121 : i32
      %sub3A_123 = arith.constant 3 : i32
      %sub3A_124 = arith.subi %add3A_122, %sub3A_123 : i32
      %ge3A_125 = arith.constant 1 : i32
      %ge3A_126 = arith.cmpi sge, %scan3A_43, %ge3A_125 : i32
      %lt3A_127 = arith.constant 50 : i32
      %lt3A_128 = arith.cmpi slt, %add3A_122, %lt3A_127 : i32
      %and3A_129 = arith.andi %ge3A_126, %lt3A_128 : i1
      %convert_element_type3A_130 = arith.extui %and3A_129 : i1 to i32
      %cond3A_131 = arith.constant 0 : i32
      %cond3A_132 = arith.cmpi ne, %convert_element_type3A_130, %cond3A_131 : i32
      scf.if %cond3A_132 {
        %sub3A_200 = arith.constant 6 : i32
        %sub3A_201 = arith.subi %add3A_122, %sub3A_200 : i32
        %mul3A_202 = arith.constant 128 : i32
        %mul3A_203 = arith.muli %sub3A_201, %mul3A_202 : i32
        %add3A_204 = arith.addi %mul3A_2, %mul3A_203 : i32
        %dma_wait3A_205 = arith.constant 0 : i32
        %dma_wait3A_206 = tpu.memref_slice %arg4[%add3A_204, %dma_wait3A_205] : memref<204800x64xf32, #tpu.memory_space<hbm>> -> memref<128x64xf32, #tpu.memory_space<hbm>>
        %dma_wait3A_207 = arith.constant 0 : i32
        %dma_wait3A_208 = tpu.memref_slice %arg4[%add3A_204, %dma_wait3A_207] : memref<204800x64xf32, #tpu.memory_space<hbm>> -> memref<128x64xf32, #tpu.memory_space<hbm>>
        tpu.wait_dma2 semaphore(%arg21 : memref<!tpu.dma_semaphore, #tpu.memory_space<semaphore_mem>>) src(%arg9 : memref<128x64xf32, #tpu.memory_space<vmem>>) dst(%dma_wait3A_208 : memref<128x64xf32, #tpu.memory_space<hbm>>)
      } else {
      }
      %lt3A_133 = arith.constant 50 : i32
      %lt3A_134 = arith.cmpi slt, %add3A_122, %lt3A_133 : i32
      %convert_element_type3A_135 = arith.extui %lt3A_134 : i1 to i32
      %cond3A_136 = arith.constant 0 : i32
      %cond3A_137 = arith.cmpi ne, %convert_element_type3A_135, %cond3A_136 : i32
      scf.if %cond3A_137 {
        %mul3A_200 = arith.constant 128 : i32
        %mul3A_201 = arith.muli %add3A_122, %mul3A_200 : i32
        %dma_start3A = tpu.memref_slice %arg5[%mul3A_201] : memref<6400xi32, #tpu.memory_space<vmem>> -> memref<128xi32, #tpu.memory_space<vmem>>
        %dma_start3A_202 = arith.constant 0 : i32
        %dma_start3A_203 = arith.constant 0 : i32
        %dma_start3A_204 = tpu.memref_slice %arg3[%dma_start3A_202, %dma_start3A_203] : memref<1000000x64xf32, #tpu.memory_space<hbm>> -> memref<1000000x64xf32, #tpu.memory_space<hbm>>
        tpu.enqueue_indirect_dma source(%dma_start3A_204 : memref<1000000x64xf32, #tpu.memory_space<hbm>>) target(%arg9 : memref<128x64xf32, #tpu.memory_space<vmem>>) offsets(%dma_start3A : memref<128xi32, #tpu.memory_space<vmem>>) semaphore(%arg15 : memref<!tpu.dma_semaphore, #tpu.memory_space<semaphore_mem>>)
      } else {
      }
      %ge3A_138 = arith.constant 0 : i32
      %ge3A_139 = arith.cmpi sge, %sub3A_124, %ge3A_138 : i32
      %lt3A_140 = arith.constant 50 : i32
      %lt3A_141 = arith.cmpi slt, %sub3A_124, %lt3A_140 : i32
      %and3A_142 = arith.andi %ge3A_139, %lt3A_141 : i1
      %convert_element_type3A_143 = arith.extui %and3A_142 : i1 to i32
      %cond3A_144 = arith.constant 0 : i32
      %cond3A_145 = arith.cmpi ne, %convert_element_type3A_143, %cond3A_144 : i32
      scf.if %cond3A_145 {
        %mul3A_200 = arith.constant 128 : i32
        %mul3A_201 = arith.muli %sub3A_124, %mul3A_200 : i32
        %dma_wait3A_202 = tpu.memref_slice %arg5[%mul3A_201] : memref<6400xi32, #tpu.memory_space<vmem>> -> memref<128xi32, #tpu.memory_space<vmem>>
        %dma_wait3A_203 = arith.constant 0 : i32
        %dma_wait3A_204 = arith.constant 0 : i32
        %dma_wait3A_205 = tpu.memref_slice %arg3[%dma_wait3A_203, %dma_wait3A_204] : memref<1000000x64xf32, #tpu.memory_space<hbm>> -> memref<1000000x64xf32, #tpu.memory_space<hbm>>
        tpu.wait_indirect_dma semaphore(%arg12 : memref<!tpu.dma_semaphore, #tpu.memory_space<semaphore_mem>>) src(%dma_wait3A_205 : memref<1000000x64xf32, #tpu.memory_space<hbm>>) dst(%arg6 : memref<128x64xf32, #tpu.memory_space<vmem>>)
        %mul3A_206 = arith.constant 128 : i32
        %mul3A_207 = arith.muli %sub3A_124, %mul3A_206 : i32
        %add3A_208 = arith.addi %mul3A_2, %mul3A_207 : i32
        %dma_start3A = arith.constant 0 : i32
        %dma_start3A_209 = tpu.memref_slice %arg4[%add3A_208, %dma_start3A] : memref<204800x64xf32, #tpu.memory_space<hbm>> -> memref<128x64xf32, #tpu.memory_space<hbm>>
        %dma_start3A_210 = arith.constant 0 : i32
        %dma_start3A_211 = tpu.memref_slice %arg4[%add3A_208, %dma_start3A_210] : memref<204800x64xf32, #tpu.memory_space<hbm>> -> memref<128x64xf32, #tpu.memory_space<hbm>>
        tpu.enqueue_dma source(%arg6 : memref<128x64xf32, #tpu.memory_space<vmem>>) target(%dma_start3A_211 : memref<128x64xf32, #tpu.memory_space<hbm>>) target_semaphore(%arg18 : memref<!tpu.dma_semaphore, #tpu.memory_space<semaphore_mem>>)
      } else {
      }
      %mul3A_146 = arith.constant 6 : i32
      %mul3A_147 = arith.muli %scan3A_43, %mul3A_146 : i32
      %add3A_148 = arith.constant 4 : i32
      %add3A_149 = arith.addi %mul3A_147, %add3A_148 : i32
      %sub3A_150 = arith.constant 3 : i32
      %sub3A_151 = arith.subi %add3A_149, %sub3A_150 : i32
      %ge3A_152 = arith.constant 1 : i32
      %ge3A_153 = arith.cmpi sge, %scan3A_43, %ge3A_152 : i32
      %lt3A_154 = arith.constant 50 : i32
      %lt3A_155 = arith.cmpi slt, %add3A_149, %lt3A_154 : i32
      %and3A_156 = arith.andi %ge3A_153, %lt3A_155 : i1
      %convert_element_type3A_157 = arith.extui %and3A_156 : i1 to i32
      %cond3A_158 = arith.constant 0 : i32
      %cond3A_159 = arith.cmpi ne, %convert_element_type3A_157, %cond3A_158 : i32
      scf.if %cond3A_159 {
        %sub3A_200 = arith.constant 6 : i32
        %sub3A_201 = arith.subi %add3A_149, %sub3A_200 : i32
        %mul3A_202 = arith.constant 128 : i32
        %mul3A_203 = arith.muli %sub3A_201, %mul3A_202 : i32
        %add3A_204 = arith.addi %mul3A_2, %mul3A_203 : i32
        %dma_wait3A_205 = arith.constant 0 : i32
        %dma_wait3A_206 = tpu.memref_slice %arg4[%add3A_204, %dma_wait3A_205] : memref<204800x64xf32, #tpu.memory_space<hbm>> -> memref<128x64xf32, #tpu.memory_space<hbm>>
        %dma_wait3A_207 = arith.constant 0 : i32
        %dma_wait3A_208 = tpu.memref_slice %arg4[%add3A_204, %dma_wait3A_207] : memref<204800x64xf32, #tpu.memory_space<hbm>> -> memref<128x64xf32, #tpu.memory_space<hbm>>
        tpu.wait_dma2 semaphore(%arg22 : memref<!tpu.dma_semaphore, #tpu.memory_space<semaphore_mem>>) src(%arg10 : memref<128x64xf32, #tpu.memory_space<vmem>>) dst(%dma_wait3A_208 : memref<128x64xf32, #tpu.memory_space<hbm>>)
      } else {
      }
      %lt3A_160 = arith.constant 50 : i32
      %lt3A_161 = arith.cmpi slt, %add3A_149, %lt3A_160 : i32
      %convert_element_type3A_162 = arith.extui %lt3A_161 : i1 to i32
      %cond3A_163 = arith.constant 0 : i32
      %cond3A_164 = arith.cmpi ne, %convert_element_type3A_162, %cond3A_163 : i32
      scf.if %cond3A_164 {
        %mul3A_200 = arith.constant 128 : i32
        %mul3A_201 = arith.muli %add3A_149, %mul3A_200 : i32
        %dma_start3A = tpu.memref_slice %arg5[%mul3A_201] : memref<6400xi32, #tpu.memory_space<vmem>> -> memref<128xi32, #tpu.memory_space<vmem>>
        %dma_start3A_202 = arith.constant 0 : i32
        %dma_start3A_203 = arith.constant 0 : i32
        %dma_start3A_204 = tpu.memref_slice %arg3[%dma_start3A_202, %dma_start3A_203] : memref<1000000x64xf32, #tpu.memory_space<hbm>> -> memref<1000000x64xf32, #tpu.memory_space<hbm>>
        tpu.enqueue_indirect_dma source(%dma_start3A_204 : memref<1000000x64xf32, #tpu.memory_space<hbm>>) target(%arg10 : memref<128x64xf32, #tpu.memory_space<vmem>>) offsets(%dma_start3A : memref<128xi32, #tpu.memory_space<vmem>>) semaphore(%arg16 : memref<!tpu.dma_semaphore, #tpu.memory_space<semaphore_mem>>)
      } else {
      }
      %ge3A_165 = arith.constant 0 : i32
      %ge3A_166 = arith.cmpi sge, %sub3A_151, %ge3A_165 : i32
      %lt3A_167 = arith.constant 50 : i32
      %lt3A_168 = arith.cmpi slt, %sub3A_151, %lt3A_167 : i32
      %and3A_169 = arith.andi %ge3A_166, %lt3A_168 : i1
      %convert_element_type3A_170 = arith.extui %and3A_169 : i1 to i32
      %cond3A_171 = arith.constant 0 : i32
      %cond3A_172 = arith.cmpi ne, %convert_element_type3A_170, %cond3A_171 : i32
      scf.if %cond3A_172 {
        %mul3A_200 = arith.constant 128 : i32
        %mul3A_201 = arith.muli %sub3A_151, %mul3A_200 : i32
        %dma_wait3A_202 = tpu.memref_slice %arg5[%mul3A_201] : memref<6400xi32, #tpu.memory_space<vmem>> -> memref<128xi32, #tpu.memory_space<vmem>>
        %dma_wait3A_203 = arith.constant 0 : i32
        %dma_wait3A_204 = arith.constant 0 : i32
        %dma_wait3A_205 = tpu.memref_slice %arg3[%dma_wait3A_203, %dma_wait3A_204] : memref<1000000x64xf32, #tpu.memory_space<hbm>> -> memref<1000000x64xf32, #tpu.memory_space<hbm>>
        tpu.wait_indirect_dma semaphore(%arg13 : memref<!tpu.dma_semaphore, #tpu.memory_space<semaphore_mem>>) src(%dma_wait3A_205 : memref<1000000x64xf32, #tpu.memory_space<hbm>>) dst(%arg7 : memref<128x64xf32, #tpu.memory_space<vmem>>)
        %mul3A_206 = arith.constant 128 : i32
        %mul3A_207 = arith.muli %sub3A_151, %mul3A_206 : i32
        %add3A_208 = arith.addi %mul3A_2, %mul3A_207 : i32
        %dma_start3A = arith.constant 0 : i32
        %dma_start3A_209 = tpu.memref_slice %arg4[%add3A_208, %dma_start3A] : memref<204800x64xf32, #tpu.memory_space<hbm>> -> memref<128x64xf32, #tpu.memory_space<hbm>>
        %dma_start3A_210 = arith.constant 0 : i32
        %dma_start3A_211 = tpu.memref_slice %arg4[%add3A_208, %dma_start3A_210] : memref<204800x64xf32, #tpu.memory_space<hbm>> -> memref<128x64xf32, #tpu.memory_space<hbm>>
        tpu.enqueue_dma source(%arg7 : memref<128x64xf32, #tpu.memory_space<vmem>>) target(%dma_start3A_211 : memref<128x64xf32, #tpu.memory_space<hbm>>) target_semaphore(%arg19 : memref<!tpu.dma_semaphore, #tpu.memory_space<semaphore_mem>>)
      } else {
      }
      %mul3A_173 = arith.constant 6 : i32
      %mul3A_174 = arith.muli %scan3A_43, %mul3A_173 : i32
      %add3A_175 = arith.constant 5 : i32
      %add3A_176 = arith.addi %mul3A_174, %add3A_175 : i32
      %sub3A_177 = arith.constant 3 : i32
      %sub3A_178 = arith.subi %add3A_176, %sub3A_177 : i32
      %ge3A_179 = arith.constant 1 : i32
      %ge3A_180 = arith.cmpi sge, %scan3A_43, %ge3A_179 : i32
      %lt3A_181 = arith.constant 50 : i32
      %lt3A_182 = arith.cmpi slt, %add3A_176, %lt3A_181 : i32
      %and3A_183 = arith.andi %ge3A_180, %lt3A_182 : i1
      %convert_element_type3A_184 = arith.extui %and3A_183 : i1 to i32
      %cond3A_185 = arith.constant 0 : i32
      %cond3A_186 = arith.cmpi ne, %convert_element_type3A_184, %cond3A_185 : i32
      scf.if %cond3A_186 {
        %sub3A_200 = arith.constant 6 : i32
        %sub3A_201 = arith.subi %add3A_176, %sub3A_200 : i32
        %mul3A_202 = arith.constant 128 : i32
        %mul3A_203 = arith.muli %sub3A_201, %mul3A_202 : i32
        %add3A_204 = arith.addi %mul3A_2, %mul3A_203 : i32
        %dma_wait3A_205 = arith.constant 0 : i32
        %dma_wait3A_206 = tpu.memref_slice %arg4[%add3A_204, %dma_wait3A_205] : memref<204800x64xf32, #tpu.memory_space<hbm>> -> memref<128x64xf32, #tpu.memory_space<hbm>>
        %dma_wait3A_207 = arith.constant 0 : i32
        %dma_wait3A_208 = tpu.memref_slice %arg4[%add3A_204, %dma_wait3A_207] : memref<204800x64xf32, #tpu.memory_space<hbm>> -> memref<128x64xf32, #tpu.memory_space<hbm>>
        tpu.wait_dma2 semaphore(%arg23 : memref<!tpu.dma_semaphore, #tpu.memory_space<semaphore_mem>>) src(%arg11 : memref<128x64xf32, #tpu.memory_space<vmem>>) dst(%dma_wait3A_208 : memref<128x64xf32, #tpu.memory_space<hbm>>)
      } else {
      }
      %lt3A_187 = arith.constant 50 : i32
      %lt3A_188 = arith.cmpi slt, %add3A_176, %lt3A_187 : i32
      %convert_element_type3A_189 = arith.extui %lt3A_188 : i1 to i32
      %cond3A_190 = arith.constant 0 : i32
      %cond3A_191 = arith.cmpi ne, %convert_element_type3A_189, %cond3A_190 : i32
      scf.if %cond3A_191 {
        %mul3A_200 = arith.constant 128 : i32
        %mul3A_201 = arith.muli %add3A_176, %mul3A_200 : i32
        %dma_start3A = tpu.memref_slice %arg5[%mul3A_201] : memref<6400xi32, #tpu.memory_space<vmem>> -> memref<128xi32, #tpu.memory_space<vmem>>
        %dma_start3A_202 = arith.constant 0 : i32
        %dma_start3A_203 = arith.constant 0 : i32
        %dma_start3A_204 = tpu.memref_slice %arg3[%dma_start3A_202, %dma_start3A_203] : memref<1000000x64xf32, #tpu.memory_space<hbm>> -> memref<1000000x64xf32, #tpu.memory_space<hbm>>
        tpu.enqueue_indirect_dma source(%dma_start3A_204 : memref<1000000x64xf32, #tpu.memory_space<hbm>>) target(%arg11 : memref<128x64xf32, #tpu.memory_space<vmem>>) offsets(%dma_start3A : memref<128xi32, #tpu.memory_space<vmem>>) semaphore(%arg17 : memref<!tpu.dma_semaphore, #tpu.memory_space<semaphore_mem>>)
      } else {
      }
      %ge3A_192 = arith.constant 0 : i32
      %ge3A_193 = arith.cmpi sge, %sub3A_178, %ge3A_192 : i32
      %lt3A_194 = arith.constant 50 : i32
      %lt3A_195 = arith.cmpi slt, %sub3A_178, %lt3A_194 : i32
      %and3A_196 = arith.andi %ge3A_193, %lt3A_195 : i1
      %convert_element_type3A_197 = arith.extui %and3A_196 : i1 to i32
      %cond3A_198 = arith.constant 0 : i32
      %cond3A_199 = arith.cmpi ne, %convert_element_type3A_197, %cond3A_198 : i32
      scf.if %cond3A_199 {
        %mul3A_200 = arith.constant 128 : i32
        %mul3A_201 = arith.muli %sub3A_178, %mul3A_200 : i32
        %dma_wait3A_202 = tpu.memref_slice %arg5[%mul3A_201] : memref<6400xi32, #tpu.memory_space<vmem>> -> memref<128xi32, #tpu.memory_space<vmem>>
        %dma_wait3A_203 = arith.constant 0 : i32
        %dma_wait3A_204 = arith.constant 0 : i32
        %dma_wait3A_205 = tpu.memref_slice %arg3[%dma_wait3A_203, %dma_wait3A_204] : memref<1000000x64xf32, #tpu.memory_space<hbm>> -> memref<1000000x64xf32, #tpu.memory_space<hbm>>
        tpu.wait_indirect_dma semaphore(%arg14 : memref<!tpu.dma_semaphore, #tpu.memory_space<semaphore_mem>>) src(%dma_wait3A_205 : memref<1000000x64xf32, #tpu.memory_space<hbm>>) dst(%arg8 : memref<128x64xf32, #tpu.memory_space<vmem>>)
        %mul3A_206 = arith.constant 128 : i32
        %mul3A_207 = arith.muli %sub3A_178, %mul3A_206 : i32
        %add3A_208 = arith.addi %mul3A_2, %mul3A_207 : i32
        %dma_start3A = arith.constant 0 : i32
        %dma_start3A_209 = tpu.memref_slice %arg4[%add3A_208, %dma_start3A] : memref<204800x64xf32, #tpu.memory_space<hbm>> -> memref<128x64xf32, #tpu.memory_space<hbm>>
        %dma_start3A_210 = arith.constant 0 : i32
        %dma_start3A_211 = tpu.memref_slice %arg4[%add3A_208, %dma_start3A_210] : memref<204800x64xf32, #tpu.memory_space<hbm>> -> memref<128x64xf32, #tpu.memory_space<hbm>>
        tpu.enqueue_dma source(%arg8 : memref<128x64xf32, #tpu.memory_space<vmem>>) target(%dma_start3A_211 : memref<128x64xf32, #tpu.memory_space<hbm>>) target_semaphore(%arg20 : memref<!tpu.dma_semaphore, #tpu.memory_space<semaphore_mem>>)
      } else {
      }
    }
    %scan3A_7 = arith.constant 9 : i32
    %add3A_8 = arith.constant 5632 : i32
    %add3A_9 = arith.addi %mul3A_2, %add3A_8 : i32
    %dma_wait3A = arith.constant 0 : i32
    %dma_wait3A_10 = tpu.memref_slice %arg4[%add3A_9, %dma_wait3A] : memref<204800x64xf32, #tpu.memory_space<hbm>> -> memref<128x64xf32, #tpu.memory_space<hbm>>
    %dma_wait3A_11 = arith.constant 0 : i32
    %dma_wait3A_12 = tpu.memref_slice %arg4[%add3A_9, %dma_wait3A_11] : memref<204800x64xf32, #tpu.memory_space<hbm>> -> memref<128x64xf32, #tpu.memory_space<hbm>>
    tpu.wait_dma2 semaphore(%arg18 : memref<!tpu.dma_semaphore, #tpu.memory_space<semaphore_mem>>) src(%arg6 : memref<128x64xf32, #tpu.memory_space<vmem>>) dst(%dma_wait3A_12 : memref<128x64xf32, #tpu.memory_space<hbm>>)
    %add3A_13 = arith.constant 5760 : i32
    %add3A_14 = arith.addi %mul3A_2, %add3A_13 : i32
    %dma_wait3A_15 = arith.constant 0 : i32
    %dma_wait3A_16 = tpu.memref_slice %arg4[%add3A_14, %dma_wait3A_15] : memref<204800x64xf32, #tpu.memory_space<hbm>> -> memref<128x64xf32, #tpu.memory_space<hbm>>
    %dma_wait3A_17 = arith.constant 0 : i32
    %dma_wait3A_18 = tpu.memref_slice %arg4[%add3A_14, %dma_wait3A_17] : memref<204800x64xf32, #tpu.memory_space<hbm>> -> memref<128x64xf32, #tpu.memory_space<hbm>>
    tpu.wait_dma2 semaphore(%arg19 : memref<!tpu.dma_semaphore, #tpu.memory_space<semaphore_mem>>) src(%arg7 : memref<128x64xf32, #tpu.memory_space<vmem>>) dst(%dma_wait3A_18 : memref<128x64xf32, #tpu.memory_space<hbm>>)
    %add3A_19 = arith.constant 5888 : i32
    %add3A_20 = arith.addi %mul3A_2, %add3A_19 : i32
    %dma_wait3A_21 = arith.constant 0 : i32
    %dma_wait3A_22 = tpu.memref_slice %arg4[%add3A_20, %dma_wait3A_21] : memref<204800x64xf32, #tpu.memory_space<hbm>> -> memref<128x64xf32, #tpu.memory_space<hbm>>
    %dma_wait3A_23 = arith.constant 0 : i32
    %dma_wait3A_24 = tpu.memref_slice %arg4[%add3A_20, %dma_wait3A_23] : memref<204800x64xf32, #tpu.memory_space<hbm>> -> memref<128x64xf32, #tpu.memory_space<hbm>>
    tpu.wait_dma2 semaphore(%arg20 : memref<!tpu.dma_semaphore, #tpu.memory_space<semaphore_mem>>) src(%arg8 : memref<128x64xf32, #tpu.memory_space<vmem>>) dst(%dma_wait3A_24 : memref<128x64xf32, #tpu.memory_space<hbm>>)
    %add3A_25 = arith.constant 6016 : i32
    %add3A_26 = arith.addi %mul3A_2, %add3A_25 : i32
    %dma_wait3A_27 = arith.constant 0 : i32
    %dma_wait3A_28 = tpu.memref_slice %arg4[%add3A_26, %dma_wait3A_27] : memref<204800x64xf32, #tpu.memory_space<hbm>> -> memref<128x64xf32, #tpu.memory_space<hbm>>
    %dma_wait3A_29 = arith.constant 0 : i32
    %dma_wait3A_30 = tpu.memref_slice %arg4[%add3A_26, %dma_wait3A_29] : memref<204800x64xf32, #tpu.memory_space<hbm>> -> memref<128x64xf32, #tpu.memory_space<hbm>>
    tpu.wait_dma2 semaphore(%arg21 : memref<!tpu.dma_semaphore, #tpu.memory_space<semaphore_mem>>) src(%arg9 : memref<128x64xf32, #tpu.memory_space<vmem>>) dst(%dma_wait3A_30 : memref<128x64xf32, #tpu.memory_space<hbm>>)
    %add3A_31 = arith.constant 6144 : i32
    %add3A_32 = arith.addi %mul3A_2, %add3A_31 : i32
    %dma_wait3A_33 = arith.constant 0 : i32
    %dma_wait3A_34 = tpu.memref_slice %arg4[%add3A_32, %dma_wait3A_33] : memref<204800x64xf32, #tpu.memory_space<hbm>> -> memref<128x64xf32, #tpu.memory_space<hbm>>
    %dma_wait3A_35 = arith.constant 0 : i32
    %dma_wait3A_36 = tpu.memref_slice %arg4[%add3A_32, %dma_wait3A_35] : memref<204800x64xf32, #tpu.memory_space<hbm>> -> memref<128x64xf32, #tpu.memory_space<hbm>>
    tpu.wait_dma2 semaphore(%arg22 : memref<!tpu.dma_semaphore, #tpu.memory_space<semaphore_mem>>) src(%arg10 : memref<128x64xf32, #tpu.memory_space<vmem>>) dst(%dma_wait3A_36 : memref<128x64xf32, #tpu.memory_space<hbm>>)
    %add3A_37 = arith.constant 6272 : i32
    %add3A_38 = arith.addi %mul3A_2, %add3A_37 : i32
    %dma_wait3A_39 = arith.constant 0 : i32
    %dma_wait3A_40 = tpu.memref_slice %arg4[%add3A_38, %dma_wait3A_39] : memref<204800x64xf32, #tpu.memory_space<hbm>> -> memref<128x64xf32, #tpu.memory_space<hbm>>
    %dma_wait3A_41 = arith.constant 0 : i32
    %dma_wait3A_42 = tpu.memref_slice %arg4[%add3A_38, %dma_wait3A_41] : memref<204800x64xf32, #tpu.memory_space<hbm>> -> memref<128x64xf32, #tpu.memory_space<hbm>>
    tpu.wait_dma2 semaphore(%arg23 : memref<!tpu.dma_semaphore, #tpu.memory_space<semaphore_mem>>) src(%arg11 : memref<128x64xf32, #tpu.memory_space<vmem>>) dst(%dma_wait3A_42 : memref<128x64xf32, #tpu.memory_space<hbm>>)
    return
  }
}

</mosaic_0001>

<sc_bundles>
// kernel: kernel.3.cloned.1.call-start
scs
__scs_entry_jumppad:
0x0: {  	(pc) =	sbr.rel $0x88, $3  }
0x1: {  	(tag) =	ssettag $0x0;
	lr =	simm.s32 $0x1  }
0x2: {  	[smem:$0x3F9F] =	sst lr;
	_ =	strace $0xD0000000  }
0x3: {  	_ = 	snop  }
0x4: {  	_ = 	snop  }
0x5: {  	_ = 	snop  }
0x6: {  	_ = 	snop  }
0x7: {  	_ = 	snop  }
__scs_overlays_trampoline_lowered:
0x8: {  	[smem:$0x3FAE] =	sst s0  }
0x9: {  	[smem:$0x3FAF] =	sst s1  }
0xa: {  	[smem:$0x3FB0] =	sst s2  }
0xb: {  	[smem:$0x3FB1] =	sst s3  }
0xc: {  	[smem:$0x3FB2] =	sst s4  }
0xd: {  	[smem:$0x3FB3] =	sst s5  }
0xe: {  	[smem:$0x3FB4] =	sst s6  }
0xf: {  	[smem:$0x3FB5] =	sst s7  }
0x10: {  	[smem:$0x3FB6] =	sst s8  }
0x11: {  	[smem:$0x3FB7] =	sst s9;
	s0 =	simm.s32 @!p0 $0x0  }
0x12: {  	s1 =	sld [smem:$0x3F9D];
	s0 =	simm.s32 @p0 $0x1  }
0x13: {  	[smem:$0x3FB8] =	sst s0;
	s0 =	simm.s32 @!p1 $0x0  }
0x14: {  	s2 =	sld [smem:$0x3F9C];
	s0 =	simm.s32 @p1 $0x1  }
0x15: {  	[smem:$0x3FB9] =	sst s0;
	s0 =	simm.s32 @!p2 $0x0  }
0x16: {  	s3 =	sld [smem:$0x3FDB];
	s0 =	simm.s32 @p2 $0x1  }
0x17: {  	s4 =	simm.s32 $0x1BF5;
	[smem:$0x3FBB] =	sst s0  }
0x18: {  	s0 =	sld [smem:$0x3F9E];
	_ =	swait.ge [sflag:s4], $0x0  }
0x19: {  	s7 =	sld [smem:$0x3F9F]  }
0x1a: {  	s8 =	sadd.s32 $0xFFFFE003, lr  }
0x1b: {  	s9 =	sadd.s32 $0xFFFFFEF7, lr;
	s5 =	simm.s32 $0xFFFFFFFF;
	p2 =	slt.u32 s8, $0xFFFFF086  }
0x1c: {  	p1 =	slt.u32 s9, $0xF7A;
	s5 =	simm.s32 @!p2 $0x0  }
0x1d: {  	s5 =	simm.s32 @p1 $0x1;
	p0 =	seq.s32 s7, s2  }
0x1e: {  	s7 =	smul.u32 @!p0 $0xF7A, s2;
	p2 =	seq.s32 @!p0 s5, $0x0  }
0x1f: {  	s9 =	smul.u32 $0xF7A, s1;
	s8 =	simm.s32 @!p0 $0x1BF5;
	p2 =	por !p2, p0  }
0x20: {  	[sflag:s8] =	ssyncset.s32 @!p0 $0xFFFFF086;
	s6 =	sadd.s32 @!p0 s3, s7;
	s7 =	simm.s32 @!p0 $0x108  }
0x21: {  	s3 =	sadd.s32 s3, s9;
	s6 =	sadd.s32 @!p0 $0x88, s6;
	s7 =	simm.s32 @p2 $0x1082  }
0x22: {  	[simem:s7], [sflag:s8] =	dma.local @!p0 [hbm:s6], $0xF7A  }
0x23: {  	s9 =	sor.u32 $0xD0000000, s2;
	s6 =	simm.s32 $0x108;
	_ =	swait.ge @!p0 [sflag:s8], $0x0  }
0x24: {  	s3 =	sadd.s32 $0x88, s3;
	s6 =	simm.s32 @!p1 $0x1082;
	[sflag:s4] =	ssyncset.s32 $0xFFFFF086  }
0x25: {  	[simem:s6], [sflag:s4] =	dma.local [hbm:s3], $0xF7A  }
0x26: {  	[smem:$0x3F9F] =	sst s1;
	(tag) =	ssettag s2;
	_ =	strace s9  }
0x27: {  	s1 =	sld [smem:$0x3FAF]  }
0x28: {  	s2 =	sld [smem:$0x3FB0]  }
0x29: {  	s4 =	sld [smem:$0x3FB2]  }
0x2a: {  	p0 =	seq.s32 s5, $0x0;
	s5 =	sld [smem:$0x3FB3]  }
0x2b: {  	s6 =	sld [smem:$0x3FB4]  }
0x2c: {  	s7 =	sld [smem:$0x3FB5]  }
0x2d: {  	s3 =	simm.s32 $0x108;
	s8 =	sld [smem:$0x3FB6]  }
0x2e: {  	s3 =	simm.s32 @!p0 $0x1082;
	s9 =	sld [smem:$0x3FB7]  }
0x2f: {  	lr =	sadd.s32 s0, s3;
	s0 =	sld [smem:$0x3FAE]  }
0x30: {  	s3 =	sld [smem:$0x3FB1]  }
0x31: {  	[smem:$0x3FBA] =	sst s10  }
0x32: {  	s10 =	sld [smem:$0x3FB8];
	_ =	sdelay $0x3  }
0x33: {  	p0 =	seq.s32 s10, $0x1;
	s10 =	sld [smem:$0x3FBA];
	_ =	sdelay $0x3  }
0x34: {  	[smem:$0x3FBA] =	sst s10  }
0x35: {  	s10 =	sld [smem:$0x3FB9];
	_ =	sdelay $0x3  }
0x36: {  	p1 =	seq.s32 s10, $0x1;
	s10 =	sld [smem:$0x3FBA];
	_ =	sdelay $0x3  }
0x37: {  	[smem:$0x3FBA] =	sst s10  }
0x38: {  	s10 =	sld [smem:$0x3FBB]  }
0x39: {  	_ = 	snop;
	(pc) =	sbr.ind lr, $3  }
0x3a: {  	_ = 	snop  }
0x3b: {  	_ = 	snop  }
0x3c: {  	p2 =	seq.s32 s10, $0x1;
	s10 =	sld [smem:$0x3FBA]  }
0x3d: {  	_ =	shalt  }
0x3e: {  	_ =	shalt  }
0x3f: {  	_ =	shalt  }
0x40: {  	_ =	shalt  }
0x41: {  	_ =	shalt  }
0x42: {  	_ =	shalt  }
0x43: {  	_ =	shalt  }
0x44: {  	_ =	shalt  }
0x45: {  	_ =	shalt  }
0x46: {  	_ =	shalt  }
0x47: {  	_ =	shalt  }
0x48: {  	_ =	shalt  }
0x49: {  	_ =	shalt  }
0x4a: {  	_ =	shalt  }
0x4b: {  	_ =	shalt  }
0x4c: {  	_ =	shalt  }
0x4d: {  	_ =	shalt  }
0x4e: {  	_ =	shalt  }
0x4f: {  	_ =	shalt  }
0x50: {  	_ =	shalt  }
0x51: {  	_ =	shalt  }
0x52: {  	_ =	shalt  }
0x53: {  	_ =	shalt  }
0x54: {  	_ =	shalt  }
0x55: {  	_ =	shalt  }
0x56: {  	_ =	shalt  }
0x57: {  	_ =	shalt  }
0x58: {  	_ =	shalt  }
0x59: {  	_ =	shalt  }
0x5a: {  	_ =	shalt  }
0x5b: {  	_ =	shalt  }
0x5c: {  	_ =	shalt  }
0x5d: {  	_ =	shalt  }
0x5e: {  	_ =	shalt  }
0x5f: {  	_ =	shalt  }
0x60: {  	_ =	shalt  }
0x61: {  	_ =	shalt  }
0x62: {  	_ =	shalt  }
0x63: {  	_ =	shalt  }
0x64: {  	_ =	shalt  }
0x65: {  	_ =	shalt  }
0x66: {  	_ =	shalt  }
0x67: {  	_ =	shalt  }
0x68: {  	_ =	shalt  }
0x69: {  	_ =	shalt  }
0x6a: {  	_ =	shalt  }
0x6b: {  	_ =	shalt  }
0x6c: {  	_ =	shalt  }
0x6d: {  	_ =	shalt  }
0x6e: {  	_ =	shalt  }
0x6f: {  	_ =	shalt  }
0x70: {  	_ =	shalt  }
0x71: {  	_ =	shalt  }
0x72: {  	_ =	shalt  }
0x73: {  	_ =	shalt  }
0x74: {  	_ =	shalt  }
0x75: {  	_ =	shalt  }
0x76: {  	_ =	shalt  }
0x77: {  	_ =	shalt  }
0x78: {  	_ =	shalt  }
0x79: {  	_ =	shalt  }
0x7a: {  	_ =	shalt  }
0x7b: {  	_ =	shalt  }
0x7c: {  	_ =	shalt  }
0x7d: {  	_ =	shalt  }
0x7e: {  	_ =	shalt  }
0x7f: {  	_ =	shalt  }
0x80: {  	_ =	shalt  }
0x81: {  	_ =	shalt  }
0x82: {  	_ =	shalt  }
0x83: {  	_ =	shalt  }
0x84: {  	_ =	shalt  }
0x85: {  	_ =	shalt  }
0x86: {  	_ =	shalt  }
0x87: {  	_ =	shalt  }
.Lfunc_end0:
.L_simem_size_0:
called_computation.1_lowered:
.L_overlay_start_0:
0x88: {  	s2 =	sld [smem:$0x3FD9]  }
0x89: {  	s3 =	sld [smem:$0x3FFE];
	_ =	sdelay $0x1  }
0x8a: {  	s1 =	srdreg.scid  }
0x8b: {  	s0 =	sand.u32 $0x1, s1  }
0x8c: {  	s17 =	sshll.u32 s0, $0xA;
	s2 =	sadd.s32 s3, s2  }
0x8d: {  	s2 =	sadd.s32 s2, s17  }
0x8e: {  	[smem:$0x3FC6] =	sst s2  }
0x8f: {  	_ = 	snop  }
0x90: {  	s2 =	sld [smem:$0x3FD0];
	(tm) =	ssettm $0x1  }
0x91: {  	s18 =	sld [smem:$0x3FFB];
	_ =	sdelay $0x3  }
0x92: {  	_ =	strace s18  }
0x93: {  	s3 =	sld [smem:$0x3FFC];
	_ =	sdelay $0x3  }
0x94: {  	_ =	strace s3  }
0x95: {  	s3 =	sld [smem:$0x3FFD];
	_ =	sdelay $0x3  }
0x96: {  	_ =	strace s3  }
0x97: {  	_ =	strace $0x8FFFFFFF  }
0x98: {  	s19 =	sld [smem:$0x3FDB];
	_ =	sdelay $0x1  }
0x99: {  	s4 =	simm.s32 $_scs_section_size  }
0x9a: {  	s5 =	simm.s32 $_size__tile_overlayer_lowered;
	s6 =	simm.s32 $_tile_overlayer_lowered  }
0x9b: {  	s22 =	simm.s32 $0x1BFF;
	s21 =	sshll.u32 s6, $0x1;
	s3 =	sadd.s32 s4, s19  }
0x9c: {  	s7 =	simm.s32 $0x0;
	s20 =	sshll.u32 s5, $0x1;
	s5 =	sadd.s32 s21, s3  }
0x9d: {  	[timem:s7], [sflag:s22] =	dma.local [hbm:s5], s20  }
0x9e: {  	_ =	swait.ge [sflag:s22], s20  }
0x9f: {  	s4 =	ssub.s32 $0x0, s20;
	[sflag:s22] =	ssyncset.done $0x0  }
0xa0: {  	[sflag:s22] =	ssyncadd.s32 s4;
	_ =	sdelay $0x1  }
0xa1: {  	s23 =	simm.s32 $0x1B8B  }
0xa2: {  	_ =	swait.ge [sflag:s23], $0x1  }
0xa3: {  	[sflag:s23] =	ssyncset.done $0x0  }
0xa4: {  	s25 =	simm.s32 $0x1B8E;
	s24 =	sld [smem:$0x3FFE];
	[sflag:s23] =	ssyncadd.s32 $0xFFFFFFFF  }
0xa5: {  	s26 =	simm.s32 $execute0_lowered;
	[smem:$0x3FD2] =	sst s25  }
0xa6: {  	s5 =	sshll.u32 s26, $0x1;
	_ =	strace $0x80000046;
	[dreg:$0x1] =	wrdreg $0xFFFFFFFF  }
0xa7: {  	s28 =	simm.s32 $_size_execute0_lowered;
	s3 =	sadd.s32 s3, s5;
	[dreg:$0x0] =	wrdreg $0x0  }
0xa8: {  	s5 =	sshll.u32 s28, $0x1;
	[dreg:$0x2] =	wrdreg s3  }
0xa9: {  	[dreg:$0x3] =	wrdreg s5  }
0xaa: {  	[dreg:$0x4] =	wrdreg $0xC0  }
0xab: {  	_ =	task [dreg:s7], $0x5FFFF  }
0xac: {  	[dreg:$0x1] =	wrdreg $0xFFFFFFFF  }
0xad: {  	[dreg:$0x0] =	wrdreg $0x60  }
0xae: {  	[dreg:$0x2] =	wrdreg s24  }
0xaf: {  	[dreg:$0x3] =	wrdreg s2  }
0xb0: {  	[dreg:$0x4] =	wrdreg $0x9  }
0xb1: {  	_ =	task.clear_ibuf [dreg:s7], $0x5FFFF;
	_ =	strace $0x90000046  }
0xb2: {  	s29 =	simm.s32 $0x9;
	_ =	strace $0x80000048  }
0xb3: {  	_ =	swait.ge [sflag:s29], $0x1  }
0xb4: {  	[sflag:s29] =	ssyncadd.s32 $0xFFFFFFFF  }
0xb5: {  	_ =	strace $0x90000048  }
0xb6: {  	_ =	sfence  }
0xb7: {  	s30 =	sld [smem:$0x0];
	_ =	sdelay $0x2  }
0xb8: {  	s31 =	sshll.u32 s1, $0xD;
	s1 =	sshrl.u32 s1, $0x2  }
0xb9: {  	s3 =	sand.u32 $0x4000, s31;
	s1 =	sadd.s32 s1, s30  }
0xba: {  	s0 =	sor.u32 s3, s0;
	s1 =	sshll.u32 s1, $0x11  }
0xbb: {  	s0 =	sor.u32 s1, s0  }
0xbc: {  	s0 =	sadd.s32 $0x8F2B, s0  }
0xbd: {  	[sflag:s0] =	ssyncadd.remote.s32 $0x1  }
0xbe: {  	_ =	sfence.sel $0xFFFF  }
0xbf: {  	[dreg:$0x0] =	wrdreg $0xFFFFFFFF;
	(pc) =	sbr.abs _section_cstart, $3  }
0xc0: {  	[dreg:$0x1] =	wrdreg $0xFFFFFFFF  }
0xc1: {  	_ =	task.clear_ibuf [dreg:s7], $0x2FFFF;
	_ =	strace $0x9FFFFFFF  }
0xc2: {  	(tm) =	ssettm $0x7FFFFFFF  }
0xc3: {  	_ =	shalt  }
tec
execute0_lowered:
.L_overlay_start_1:
0x0: {  	(tag) =	ssettag $0x1  }
0x1: {  	s0 =	srdreg.scid  }
0x2: {  	s9 =	stileid.u32;
	s1 =	rddreg [dreg:$0x0]  }
0x3: {  	s2 =	rddreg [dreg:$0x1];
	s12 =	simm.s32 $0x80;
	s13 =	simm.s32 $0x1900  }
0x4: {  	s14 =	simm.s32 $0x3900;
	s15 =	simm.s32 $0x5900;
	s16 =	simm.s32 $0x7900  }
0x5: {  	s17 =	simm.s32 $0x1;
	s18 =	simm.s32 $0x9900;
	s19 =	simm.s32 $0x2  }
0x6: {  	s20 =	simm.s32 $0xB900;
	s28 =	simm.s32 $0xC;
	s7 =	smul.u32 $0xC8000, s9  }
0x7: {  	s0 =	sand.u32 $0x1, s0;
	s3 =	sshll.u32 s9, $0x1;
	s22 =	smul.u32 $0x19000, s9  }
0x8: {  	s29 =	simm.s32 $0x0;
	s4 =	sor.u32 s0, s3;
	s8 =	smul.u32 $0x64000, s0  }
0x9: {  	s3 =	simm.s32 $0x0;
	s6 =	ssub.s32 $0x2, s0;
	s4 =	smul.u32 $0x1900, s4  }
0xa: {  	s0 =	smul.u32 $0xC800, s0;
	[smem:$0x7FF] =	sst s3;
	s21 =	sshrl.u32 s6, $0x1  }
0xb: {  	_ =	strace $0x80000047;
	s23 =	sadd.s32 s8, s7;
	s4 =	sshrl.u32 s4, $0x3  }
0xc: {  	s24 =	sor.u32 $0x2000, s23;
	s7 =	sadd.s32 $0x4000, s23;
	s30 =	sadd.s32 $0xFFFFE000, s23  }
0xd: {  	s23 =	simm.s32 $0x8;
	s5 =	sadd.s32 s4, s1;
	s4 =	sadd.s32 $0xF42E00, s1  }
0xe: {  	s1 =	ssub.s32 s6, s21;
	s25 =	sshrl.u32 s24, $0x3;
	s26 =	sshrl.u32 s7, $0x3  }
0xf: {  	[dreg:$0x7] =	wrdreg s30;
	s21 =	simm.s32 $0x3;
	s5 =	sadd.s32 $0xA00, s5  }
.Ltmp0:
0x10: {  	s1 =	smax.u32 s1, $0x1;
	[dreg:$0x3] =	wrdreg s5;
	(pc) =	sbr.rel .LBB2_1-.Ltmp0, $4  }
0x11: {  	s31 =	sadd.s32 s26, s2;
	[dreg:$0x4] =	wrdreg s1;
	s5 =	sadd.s32 s22, s2  }
0x12: {  	s24 =	simm.s32 $0x9;
	[dreg:$0x8] =	wrdreg s31;
	s0 =	sadd.s32 s0, s5  }
0x13: {  	s26 =	simm.s32 $0xB;
	[dreg:$0x5] =	wrdreg s0;
	s0 =	sadd.s32 s25, s2  }
0x14: {  	s22 =	simm.s32 $0x7;
	s25 =	simm.s32 $0xA;
	[dreg:$0x6] =	wrdreg s0  }
.LBB2_18:
0x15: {  	_ =	swait.ge [sflag:s22], $0x2000  }
0x16: {  	[sflag:s22] =	ssyncset.done $0x0  }
0x17: {  	[sflag:s22] =	ssyncadd.s32 $0xFFFFE000  }
0x18: {  	_ =	swait.ge [sflag:s23], $0x2000  }
0x19: {  	[sflag:s23] =	ssyncset.done $0x0  }
0x1a: {  	[sflag:s23] =	ssyncadd.s32 $0xFFFFE000  }
0x1b: {  	_ =	swait.ge [sflag:s24], $0x2000  }
0x1c: {  	[sflag:s24] =	ssyncset.done $0x0  }
0x1d: {  	[sflag:s24] =	ssyncadd.s32 $0xFFFFE000  }
0x1e: {  	_ =	swait.ge [sflag:s25], $0x2000  }
0x1f: {  	[sflag:s25] =	ssyncset.done $0x0  }
0x20: {  	[sflag:s25] =	ssyncadd.s32 $0xFFFFE000  }
0x21: {  	_ =	swait.ge [sflag:s26], $0x2000  }
0x22: {  	[sflag:s26] =	ssyncset.done $0x0  }
0x23: {  	[sflag:s26] =	ssyncadd.s32 $0xFFFFE000  }
0x24: {  	_ =	swait.ge [sflag:s28], $0x2000  }
0x25: {  	s29 =	sadd.s32 $0x1, s29;
	s0 =	rddreg [dreg:$0x4]  }
0x26: {  	p0 =	sne.s32 s29, s0  }
.Ltmp1:
0x27: {  	_ = 	snop;
	(pc) =	sbr.rel @!p0 .LBB2_19-.Ltmp1, $3  }
0x28: {  	_ =	sdelay $0x1  }
0x29: {  	[sflag:s28] =	ssyncset.done $0x0  }
0x2a: {  	[sflag:s28] =	ssyncadd.s32 $0xFFFFE000  }
.LBB2_1:
0x2b: {  	s0 =	rddreg [dreg:$0x3];
	s11 =	simm.s32 $0xD  }
0x2c: {  	[tilespmem:s3], [sflag:$0xD] =	stream.linear.gather [hbm4b:s0+s3], $0x1900, $0x38;
	[tilespmem:$0xD900] =	vst v63  }
.Ltmp2:
0x2d: {  	_ =	swait.ge [sflag:s11], $0x1900;
	(pc) =	sbr.rel .LBB2_2-.Ltmp2, $4  }
0x2e: {  	s31 =	rddreg [dreg:$0x8]  }
0x2f: {  	s30 =	simm.s32 $0xFFFFFFFF;
	s9 =	rddreg [dreg:$0x7]  }
0x30: {  	s5 =	simm.s32 $0x0;
	[sflag:s11] =	ssyncset.done $0x0;
	s8 =	rddreg [dreg:$0x6]  }
0x31: {  	s6 =	simm.s32 $0x0;
	s7 =	rddreg [dreg:$0x5];
	[sflag:s11] =	ssyncadd.s32 $0xFFFFE700  }
.LBB2_17:
0x32: {  	s0 =	sadd.s32 $0x280, s0  }
0x33: {  	[tilespmem:s20], [sflag:$0x6] =	stream.indirect.gather [hbm4b:s4+s12], $0x40, s0, s12, $0xb8;
	[tilespmem:$0xD900] =	vst v63  }
0x34: {  	_ =	swait.ge [sflag:s21], $0x2000  }
0x35: {  	s6 =	sadd.s32 $0x1, s6;
	s7 =	sadd.s32 $0x1800, s7;
	[sflag:s21] =	ssyncset.done $0x0  }
0x36: {  	s5 =	sadd.s32 $0xC00, s5;
	s8 =	sadd.s32 $0x1800, s8;
	[sflag:s21] =	ssyncadd.s32 $0xFFFFE000  }
0x37: {  	[hbm4b:s31+s3] =	stream.linear.scatter [tilespmem:s15], [sflag:$0x9], $0x2000, $0x38;
	[tilespmem:$0xD900] =	vst v63  }
0x38: {  	s9 =	sadd.s32 $0xC000, s9;
	s30 =	sadd.s32 $0x6, s30;
	s31 =	sadd.s32 $0x1800, s31  }
.LBB2_2:
0x39: {  	p0 =	seq.s32 s5, $0x0  }
0x3a: {  	s0 =	simm.s32 @!p0 $0x7  }
0x3b: {  	s1 =	sadd.s32 $0xFFFFFFFE, s30;
	_ =	swait.ge @!p0 [sflag:s0], $0x2000  }
0x3c: {  	p1 =	sgt.u32 s1, $0x31;
	[sflag:s0] =	ssyncset.done @!p0 $0x0  }
0x3d: {  	s1 =	simm.s32 @!p1 $0x4;
	[sflag:s0] =	ssyncadd.s32 @!p0 $0xFFFFE000;
	s0 =	sshra.s32 s5, $0x2  }
0x3e: {  	[tilespmem:s13], [sflag:$0x1] =	stream.indirect.gather [hbm4b:s4+s12], $0x40, s0, s12, $0xb8;
	[tilespmem:$0xD900] =	vst v63  }
0x3f: {  	_ =	swait.ge @!p1 [sflag:s1], $0x2000  }
0x40: {  	s10 =	sadd.s32 @!p1 $0xFFFFC000, s9;
	[sflag:s1] =	ssyncset.done @!p1 $0x0  }
0x41: {  	[sflag:s1] =	ssyncadd.s32 @!p1 $0xFFFFE000;
	s1 =	sshrl.u32 @!p1 s10, $0x3  }
0x42: {  	s11 =	simm.s32 @!p1 $0x7900;
	s10 =	simm.s32 @!p1 $0x0;
	s1 =	sadd.s32 @!p1 s2, s1  }
0x43: {  	[hbm4b:s1+s10] =	stream.linear.scatter @!p1 [tilespmem:s11], [sflag:$0xA], $0x2000, $0x38;
	[tilespmem:$0xD900] =	vst v63  }
0x44: {  	s1 =	simm.s32 @!p0 $0x8  }
0x45: {  	_ =	swait.ge @!p0 [sflag:s1], $0x2000  }
0x46: {  	s10 =	sadd.s32 $0xFFFFFFFF, s30;
	[sflag:s1] =	ssyncset.done @!p0 $0x0  }
0x47: {  	s11 =	sadd.s32 $0x80, s0;
	[sflag:s1] =	ssyncadd.s32 @!p0 $0xFFFFE000;
	p0 =	sgt.u32 s10, $0x31  }
0x48: {  	[tilespmem:s14], [sflag:$0x2] =	stream.indirect.gather [hbm4b:s4+s12], $0x40, s11, s12, $0xb8;
	[tilespmem:$0xD900] =	vst v63  }
0x49: {  	s1 =	simm.s32 @!p0 $0x5  }
0x4a: {  	_ =	swait.ge @!p0 [sflag:s1], $0x2000  }
0x4b: {  	s10 =	sadd.s32 @!p0 $0xFFFFE000, s9;
	[sflag:s1] =	ssyncset.done @!p0 $0x0  }
0x4c: {  	[sflag:s1] =	ssyncadd.s32 @!p0 $0xFFFFE000;
	s1 =	sshrl.u32 @!p0 s10, $0x3  }
0x4d: {  	s11 =	simm.s32 @!p0 $0x9900;
	s10 =	simm.s32 @!p0 $0x0;
	s1 =	sadd.s32 @!p0 s2, s1  }
0x4e: {  	[hbm4b:s1+s10] =	stream.linear.scatter @!p0 [tilespmem:s11], [sflag:$0xB], $0x2000, $0x38;
	[tilespmem:$0xD900] =	vst v63  }
0x4f: {  	p0 =	seq.s32 s6, $0x0  }
.Ltmp3:
0x50: {  	_ = 	snop;
	(pc) =	sbr.rel @p0 .LBB2_5-.Ltmp3, $1  }
0x51: {  	_ =	sdelay $0x3  }
0x52: {  	p1 =	seq.s32 s6, $0x8  }
.Ltmp4:
0x53: {  	_ = 	snop;
	(pc) =	sbr.rel @p1 .LBB2_6-.Ltmp4, $1  }
0x54: {  	_ =	sdelay $0x3  }
0x55: {  	_ =	swait.ge [sflag:s24], $0x2000  }
0x56: {  	[sflag:s24] =	ssyncset.done $0x0  }
0x57: {  	[sflag:s24] =	ssyncadd.s32 $0xFFFFE000  }
.LBB2_5:
0x58: {  	s1 =	sadd.s32 $0x100, s0  }
0x59: {  	[tilespmem:s15], [sflag:$0x3] =	stream.indirect.gather [hbm4b:s4+s12], $0x40, s1, s12, $0xb8;
	[tilespmem:$0xD900] =	vst v63  }
.LBB2_6:
0x5a: {  	p1 =	sgt.u32 s30, $0x31  }
0x5b: {  	s1 =	simm.s32 @!p1 $0x6  }
.Ltmp5:
0x5c: {  	_ =	swait.ge @!p1 [sflag:s1], $0x2000;
	(pc) =	sbr.rel @p0 .LBB2_9-.Ltmp5, $4  }
0x5d: {  	[sflag:s1] =	ssyncset.done @!p1 $0x0  }
0x5e: {  	[sflag:s1] =	ssyncadd.s32 @!p1 $0xFFFFE000;
	s1 =	sshrl.u32 @!p1 s9, $0x3  }
0x5f: {  	s10 =	simm.s32 @!p1 $0x0;
	s11 =	simm.s32 @!p1 $0xB900;
	s1 =	sadd.s32 @!p1 s2, s1  }
0x60: {  	[hbm4b:s1+s10] =	stream.linear.scatter @!p1 [tilespmem:s11], [sflag:$0xC], $0x2000, $0x38;
	[tilespmem:$0xD900] =	vst v63  }
0x61: {  	p1 =	seq.s32 s6, $0x8  }
.Ltmp6:
0x62: {  	_ = 	snop;
	(pc) =	sbr.rel @p1 .LBB2_10-.Ltmp6, $1  }
0x63: {  	_ =	sdelay $0x3  }
0x64: {  	_ =	swait.ge [sflag:s25], $0x2000  }
0x65: {  	[sflag:s25] =	ssyncset.done $0x0  }
0x66: {  	[sflag:s25] =	ssyncadd.s32 $0xFFFFE000  }
.LBB2_9:
0x67: {  	s1 =	sadd.s32 $0x180, s0  }
0x68: {  	[tilespmem:s16], [sflag:$0x4] =	stream.indirect.gather [hbm4b:s4+s12], $0x40, s1, s12, $0xb8;
	[tilespmem:$0xD900] =	vst v63  }
.LBB2_10:
.Ltmp7:
0x69: {  	(pc) =	sbr.rel @p0 .LBB2_13-.Ltmp7, $4  }
0x6a: {  	_ =	swait.ge [sflag:s17], $0x2000  }
0x6b: {  	[sflag:s17] =	ssyncset.done $0x0  }
0x6c: {  	[sflag:s17] =	ssyncadd.s32 $0xFFFFE000  }
0x6d: {  	[hbm4b:s7+s3] =	stream.linear.scatter [tilespmem:s13], [sflag:$0x7], $0x2000, $0x38;
	[tilespmem:$0xD900] =	vst v63  }
0x6e: {  	p1 =	seq.s32 s6, $0x8  }
.Ltmp8:
0x6f: {  	_ = 	snop;
	(pc) =	sbr.rel @p1 .LBB2_14-.Ltmp8, $1  }
0x70: {  	_ =	sdelay $0x3  }
0x71: {  	_ =	swait.ge [sflag:s26], $0x2000  }
0x72: {  	[sflag:s26] =	ssyncset.done $0x0  }
0x73: {  	[sflag:s26] =	ssyncadd.s32 $0xFFFFE000  }
.LBB2_13:
0x74: {  	s1 =	sadd.s32 $0x200, s0  }
0x75: {  	[tilespmem:s18], [sflag:$0x5] =	stream.indirect.gather [hbm4b:s4+s12], $0x40, s1, s12, $0xb8;
	[tilespmem:$0xD900] =	vst v63  }
.LBB2_14:
.Ltmp9:
0x76: {  	(pc) =	sbr.rel @p0 .LBB2_17-.Ltmp9, $4  }
0x77: {  	_ =	swait.ge [sflag:s19], $0x2000  }
0x78: {  	[sflag:s19] =	ssyncset.done $0x0  }
0x79: {  	[sflag:s19] =	ssyncadd.s32 $0xFFFFE000  }
0x7a: {  	[hbm4b:s8+s3] =	stream.linear.scatter [tilespmem:s14], [sflag:$0x8], $0x2000, $0x38;
	[tilespmem:$0xD900] =	vst v63  }
0x7b: {  	p0 =	seq.s32 s6, $0x8  }
.Ltmp10:
0x7c: {  	_ = 	snop;
	(pc) =	sbr.rel @p0 .LBB2_18-.Ltmp10, $1  }
0x7d: {  	_ =	sdelay $0x3  }
.Ltmp11:
0x7e: {  	(pc) =	sbr.rel .LBB2_17-.Ltmp11, $4  }
0x7f: {  	_ = 	snop  }
0x80: {  	_ =	swait.ge [sflag:s28], $0x2000  }
0x81: {  	[sflag:s28] =	ssyncset.done $0x0  }
0x82: {  	[sflag:s28] =	ssyncadd.s32 $0xFFFFE000  }
.LBB2_19:
0x83: {  	_ =	sfence.sel $0x180000  }
0x84: {  	[bflag:$0x0] =	sbarrier.arrive $0xFFFF  }
0x85: {  	_ =	strace $0x90000047  }
0x86: {  	s0 =	stileid.u32;
	[bflag:$0x2] =	sbarrier.arrive $0xFFFF  }
0x87: {  	p0 =	sne.s32 s0, $0x0;
	s0 =	rddreg [dreg:$0x2]  }
0x88: {  	s0 =	sadd.s32 @!p0 $0x100000, s0  }
0x89: {  	[sflag:s0] =	ssyncadd.tile.s32 @!p0 $0x1;
	_ =	shalt  }
.Lfunc_end2:
_tile_overlayer_lowered:
.L_overlay_start_2:
0x8a: {  	(tag) =	ssettag $0x2  }
0x8b: {  	s0 =	rddreg [dreg:$0x0];
	s2 =	stileid.u32  }
0x8c: {  	s1 =	rddreg [dreg:$0x1];
	p0 =	sne.s32 s2, $0x0  }
0x8d: {  	s3 =	rddreg [dreg:$0x2];
	[bflag:$0x3] =	sbarrier.arrive $0xFFFF;
	s2 =	simm.s32 @!p0 $0x1C0D  }
0x8e: {  	[timem:s3], [sflag:s2] =	dma.local @!p0 [hbm:s0], s1  }
0x8f: {  	s0 =	simm.s32 @!p0 $0xD  }
0x90: {  	_ =	swait.ge @!p0 [sflag:s0], s1  }
0x91: {  	s1 =	ssub.s32 @!p0 $0x0, s1;
	[sflag:s0] =	ssyncset.done @!p0 $0x0  }
0x92: {  	[sflag:s0] =	ssyncadd.s32 @!p0 s1  }
0x93: {  	[bflag:$0x3] =	sbarrier.arrive $0xFFFF  }
0x94: {  	_ =	shalt  }

// kernel: sparse-core-data-format-call.cloned.1.call-start
scs
called_computation_lowered:
.L_overlay_start_0:
0x0: {  	s2 =	sld [smem:$0x3FD9]  }
0x1: {  	s3 =	sld [smem:$0x3FFE];
	_ =	sdelay $0x1  }
0x2: {  	s1 =	srdreg.scid  }
0x3: {  	s0 =	sand.u32 $0x1, s1  }
0x4: {  	s18 =	sshll.u32 s0, $0xA;
	s2 =	sadd.s32 s3, s2  }
0x5: {  	s2 =	sadd.s32 s2, s18  }
0x6: {  	[smem:$0x3FC6] =	sst s2  }
0x7: {  	_ = 	snop  }
0x8: {  	s2 =	sld [smem:$0x3FD0];
	(tm) =	ssettm $0x1  }
0x9: {  	s19 =	sld [smem:$0x3FFB];
	_ =	sdelay $0x3  }
0xa: {  	_ =	strace s19  }
0xb: {  	s3 =	sld [smem:$0x3FFC];
	_ =	sdelay $0x3  }
0xc: {  	_ =	strace s3  }
0xd: {  	s3 =	sld [smem:$0x3FFD];
	_ =	sdelay $0x3  }
0xe: {  	_ =	strace s3  }
0xf: {  	_ =	strace $0x8FFFFFFF  }
0x10: {  	s20 =	sld [smem:$0x3FDB];
	_ =	sdelay $0x1  }
0x11: {  	s4 =	simm.s32 $_scs_section_size  }
0x12: {  	s5 =	simm.s32 $_size__tile_overlayer_lowered;
	s6 =	simm.s32 $_tile_overlayer_lowered  }
0x13: {  	s23 =	simm.s32 $0x1BFF;
	s22 =	sshll.u32 s6, $0x1;
	s3 =	sadd.s32 s4, s20  }
0x14: {  	s7 =	simm.s32 $0x0;
	s21 =	sshll.u32 s5, $0x1;
	s5 =	sadd.s32 s22, s3  }
0x15: {  	[timem:s7], [sflag:s23] =	dma.local [hbm:s5], s21  }
0x16: {  	_ =	swait.ge [sflag:s23], s21  }
0x17: {  	s4 =	ssub.s32 $0x0, s21;
	[sflag:s23] =	ssyncset.done $0x0  }
0x18: {  	[sflag:s23] =	ssyncadd.s32 s4;
	_ =	sdelay $0x1  }
0x19: {  	s24 =	simm.s32 $0x1B8B  }
0x1a: {  	_ =	swait.ge [sflag:s24], $0x1  }
0x1b: {  	[sflag:s24] =	ssyncset.done $0x0  }
0x1c: {  	s26 =	simm.s32 $0x1B8E;
	s25 =	sld [smem:$0x3FFE];
	[sflag:s24] =	ssyncadd.s32 $0xFFFFFFFF  }
0x1d: {  	s27 =	simm.s32 $execute0_lowered;
	[smem:$0x3FD2] =	sst s26  }
0x1e: {  	s5 =	sshll.u32 s27, $0x1;
	_ =	strace $0x80000049;
	[dreg:$0x1] =	wrdreg $0xFFFFFFFF  }
0x1f: {  	s28 =	simm.s32 $_size_execute0_lowered;
	s3 =	sadd.s32 s3, s5;
	[dreg:$0x0] =	wrdreg $0x0  }
0x20: {  	s5 =	sshll.u32 s28, $0x1;
	[dreg:$0x2] =	wrdreg s3  }
0x21: {  	[dreg:$0x3] =	wrdreg s5  }
0x22: {  	[dreg:$0x4] =	wrdreg $0xC0  }
0x23: {  	_ =	task [dreg:s7], $0x5FFFF  }
0x24: {  	[dreg:$0x1] =	wrdreg $0xFFFFFFFF  }
0x25: {  	[dreg:$0x0] =	wrdreg $0x60  }
0x26: {  	[dreg:$0x2] =	wrdreg s25  }
0x27: {  	[dreg:$0x3] =	wrdreg s2  }
0x28: {  	[dreg:$0x4] =	wrdreg $0x9  }
0x29: {  	_ =	task.clear_ibuf [dreg:s7], $0x5FFFF;
	_ =	strace $0x90000049  }
0x2a: {  	s29 =	simm.s32 $0x9;
	_ =	strace $0x8000004B  }
0x2b: {  	_ =	swait.ge [sflag:s29], $0x1  }
0x2c: {  	[sflag:s29] =	ssyncadd.s32 $0xFFFFFFFF  }
0x2d: {  	_ =	strace $0x9000004B  }
0x2e: {  	_ =	sfence  }
0x2f: {  	s30 =	sld [smem:$0x0];
	_ =	sdelay $0x2  }
0x30: {  	s31 =	sshll.u32 s1, $0xD;
	s1 =	sshrl.u32 s1, $0x2  }
0x31: {  	s3 =	sand.u32 $0x4000, s31;
	s1 =	sadd.s32 s1, s30  }
0x32: {  	s0 =	sor.u32 s3, s0;
	s1 =	sshll.u32 s1, $0x11  }
0x33: {  	s0 =	sor.u32 s1, s0  }
0x34: {  	s0 =	sadd.s32 $0x8F2B, s0  }
0x35: {  	[sflag:s0] =	ssyncadd.remote.s32 $0x1  }
0x36: {  	_ =	sfence.sel $0xFFFF  }
0x37: {  	[dreg:$0x0] =	wrdreg $0xFFFFFFFF;
	(pc) =	sbr.abs _section_cstart, $3  }
0x38: {  	[dreg:$0x1] =	wrdreg $0xFFFFFFFF  }
0x39: {  	_ =	task.clear_ibuf [dreg:s7], $0x2FFFF;
	_ =	strace $0x9FFFFFFF  }
0x3a: {  	(tm) =	ssettm $0x7FFFFFFF  }
0x3b: {  	_ =	shalt  }
tec
execute0_lowered:
.L_overlay_start_1:
0x0: {  	(tag) =	ssettag $0x1  }
0x1: {  	s0 =	srdreg.scid  }
0x2: {  	s1 =	sshll.u32 s0, $0x4  }
0x3: {  	s0 =	stileid.u32;
	s1 =	sand.u32 $0x10, s1  }
0x4: {  	s1 =	sor.u32 s0, s1  }
0x5: {  	s6 =	rddreg [dreg:$0x0];
	s4 =	simm.s32 $0x1;
	s2 =	sshll.u32 s1, $0x7  }
0x6: {  	s7 =	simm.s32 $0x2;
	s12 =	simm.s32 $0x0;
	s1 =	ssub.s32 $0x1000, s2  }
0x7: {  	s8 =	simm.s32 $0x8000;
	s13 =	simm.s32 $0x0;
	s3 =	sand.u32 $0xF80, s1  }
0x8: {  	s9 =	simm.s32 $0x0;
	s5 =	sshrl.u32 s1, $0xC;
	p0 =	sne.s32 s3, $0x0  }
.Ltmp0:
0x9: {  	s1 =	rddreg [dreg:$0x2];
	s4 =	simm.s32 @!p0 $0x0;
	(pc) =	sbr.rel .LBB1_1-.Ltmp0, $4  }
0xa: {  	s11 =	simm.s32 $0x0;
	s3 =	rddreg [dreg:$0x1];
	s5 =	sadd.s32 s4, s5  }
0xb: {  	_ =	strace $0x8000004A;
	s4 =	simm.s32 $0x1;
	s5 =	smul.u32 $0x32, s5  }
0xc: {  	s6 =	sadd.s32 $0xA00, s6;
	s10 =	smov.u32 s2;
	[sflag:s4] =	ssyncpa.u1 $0x0  }
0xd: {  	p0 =	por $0x0, $0x0;
	[sflag:s7] =	ssyncpa.u1 $0x0;
	s7 =	sor.u32 $0x1, s5  }
.LBB1_4:
0xe: {  	s16 =	sshll.u32 s13, $0x3;
	s17 =	sand.u32 $0x78, s13  }
0xf: {  	s30 =	sand.u32 $0x7E00, s13;
	s12 =	sshll.u32 s12, $0xF;
	s16 =	sand.u32 $0xC00, s16  }
0x10: {  	[tilespmem:s15+$0x810 ss:$0x81] =	vst.msk $0xffff, v2;
	s31 =	sand.u32 $0x7, s13;
	s16 =	sor.u32 s17, s16;
	s17 =	sadd.s32 s3, s30  }
0x11: {  	[tilespmem:s15+$0x1020 ss:$0x81] =	vst.msk $0xffff, v0;
	s13 =	sshll.u32 s31, $0x12;
	s12 =	sadd.s32 s12, s17;
	s16 =	sshrl.u32 s16, $0x3  }
0x12: {  	[tilespmem:s15+$0x0 ss:$0x81] =	vst.msk $0xffff, v1;
	s13 =	sor.u32 $0x400, s13;
	s12 =	sadd.s32 s16, s12  }
0x13: {  	[hbm4b:s12+s13] =	stream.strided.scatter [tilespmem:s14], [sflag:$0x2], $0x2000, s8, s13, $0x20;
	[tilespmem:$0x8080] =	vst v63  }
.LBB1_5:
0x14: {  	s14 =	sadd.s32 $0x1, s9  }
0x15: {  	s12 =	sadd.s32 $0x1000, s10;
	s16 =	smov.u32 s10;
	p2 =	sgt.s32 s14, $0x31  }
0x16: {  	s16 =	smov.u32 @p2 s12  }
0x17: {  	s14 =	simm.s32 @p2 $0x0;
	p2 =	sgt.s32 s16, $0xFFF  }
0x18: {  	s16 =	smov.u32 @p2 s2;
	p2 =	sne.s32 s11, s7  }
.Ltmp1:
0x19: {  	p1 =	slt.u32 s11, $0x2;
	(pc) =	sbr.rel @!p2 .LBB1_6-.Ltmp1, $4  }
0x1a: {  	s15 =	simm.s32 @!p1 $0x2  }
0x1b: {  	s13 =	smov.u32 s10;
	p0 =	por !p0, !p0;
	_ =	swait.ge @!p1 [sflag:s15], $0x2000  }
0x1c: {  	s12 =	smov.u32 s9;
	[sflag:s15] =	ssyncset.done @!p1 $0x0;
	s9 =	smov.u32 s14  }
0x1d: {  	s11 =	sadd.s32 $0x1, s11;
	[sflag:s15] =	ssyncadd.s32 @!p1 $0xFFFFE000;
	s10 =	smov.u32 s16  }
.LBB1_1:
0x1e: {  	p1 =	sge.u32 s11, s5  }
0x1f: {  	s14 =	sand.u32 @!p1 $0x1FFFFFF, s9  }
0x20: {  	s15 =	smulhi.u32 @!p1 $0x4924925, s14;
	_ =	sdelay $0x1  }
0x21: {  	s15 =	smul.u32 @!p1 $0x38, s15  }
0x22: {  	s16 =	sxor.u32 @!p1 $0xFFFFFFFF, s11;
	s17 =	smul.u32 @!p1 $0x380, s10  }
0x23: {  	s31 =	sadd.s32 $0xFFFFFFFF, s11;
	s16 =	sshll.u32 @!p1 s16, $0xD;
	s14 =	ssub.s32 @!p1 s14, s15  }
0x24: {  	s15 =	sand.u32 @!p1 $0x2000, s16;
	s16 =	sadd.s32 @!p1 s6, s17;
	s14 =	sshll.u32 @!p1 s14, $0x4  }
0x25: {  	s17 =	simm.s32 @!p1 $0x1C00;
	s14 =	sadd.s32 @!p1 s14, s16;
	s16 =	simm.s32 @!p1 $0x40  }
0x26: {  	[tilespmem:s15], [sflag:$0x1] =	stream.strided.gather @!p1 [hbm4b:s14+s16], $0x2000, s17, s16, $0x38;
	[tilespmem:$0x8080] =	vst v63  }
0x27: {  	p1 =	sge.u32 s31, s5  }
.Ltmp2:
0x28: {  	_ = 	snop;
	(pc) =	sbr.rel @p1 .LBB1_5-.Ltmp2, $1  }
0x29: {  	_ =	sdelay $0x3  }
0x2a: {  	s14 =	simm.s32 $0x1  }
0x2b: {  	_ =	swait.ge [sflag:s4], $0x2000;
	s14 =	simm.s32 @!p0 $0x0  }
0x2c: {  	[sflag:s4] =	ssyncset.done $0x0;
	s15 =	sshll.u32 s14, $0xD  }
0x2d: {  	[sflag:s4] =	ssyncadd.s32 $0xFFFFE000;
	s18 =	sor.u32 $0x20, s15  }
0x2e: {  	s14 =	smul.u32 $0x8100, s14;
	v3 =	vld [tilespmem:s18+$0x10]  }
0x2f: {  	s30 =	sand.u32 $0x1, s11;
	v2 =	vld [tilespmem:s18+$0xFFFFFFF0]  }
0x30: {  	s15 =	smul.u32 $0x8100, s30;
	s14 =	sshrl.u32 s14, $0x2;
	v0 =	vld [tilespmem:s18+$0x0]  }
0x31: {  	v1 =	vld [tilespmem:s18+$0xFFFFFFE0];
	s16 =	sor.u32 $0x4000, s14  }
0x32: {  	s31 =	sshrl.u32 s15, $0x2;
	s15 =	sadd.s32 $0x0, s16  }
0x33: {  	s17 =	simm.s32 $0x4;
	s18 =	sadd.s32 $0x40, s18;
	s14 =	sor.u32 $0x4000, s31;
	[tilespmem:s15+$0x1830 ss:$0x81] =	vst.msk $0xffff, v3  }
.LBB1_3:
0x34: {  	v3 =	vld [tilespmem:s18+$0x10];
	p1 =	sne.s32 s17, $0x1FC;
	[tilespmem:s15+$0x810 ss:$0x81] =	vst.msk $0xffff, v2;
	s19 =	smov.u32 s17;
	s17 =	sadd.s32 $0x4, s17  }
.Ltmp3:
0x35: {  	v2 =	vld [tilespmem:s18+$0xFFFFFFF0];
	[tilespmem:s15+$0x1020 ss:$0x81] =	vst.msk $0xffff, v0;
	(pc) =	sbr.rel @p1 .LBB1_3-.Ltmp3, $4  }
0x36: {  	v0 =	vld [tilespmem:s18+$0x0];
	[tilespmem:s15+$0x0 ss:$0x81] =	vst.msk $0xffff, v1  }
0x37: {  	s15 =	sshra.s32 s19, $0x2;
	v1 =	vld [tilespmem:s18+$0xFFFFFFE0]  }
0x38: {  	s15 =	sadd.s32 s15, s16  }
0x39: {  	s18 =	sadd.s32 $0x40, s18;
	[tilespmem:s15+$0x1830 ss:$0x81] =	vst.msk $0xffff, v3  }
.Ltmp4:
0x3a: {  	_ = 	snop;
	(pc) =	sbr.rel .LBB1_4-.Ltmp4, $1  }
0x3b: {  	_ =	sdelay $0x3  }
.LBB1_6:
0x3c: {  	_ =	sfence.sel $0x180000  }
0x3d: {  	s2 =	simm.s32 $0x1;
	[bflag:$0x0] =	sbarrier.arrive $0xFFFF  }
0x3e: {  	s31 =	simm.s32 $0x2;
	[sflag:s2] =	ssyncpa.u1 $0x1  }
0x3f: {  	[sflag:s31] =	ssyncpa.u1 $0x1  }
0x40: {  	p0 =	sne.s32 s0, $0x0;
	_ =	strace $0x9000004A  }
0x41: {  	s0 =	sadd.s32 @!p0 $0x100000, s1;
	[bflag:$0x2] =	sbarrier.arrive $0xFFFF  }
0x42: {  	[sflag:s0] =	ssyncadd.tile.s32 @!p0 $0x1;
	_ =	shalt  }
.Lfunc_end1:
_tile_overlayer_lowered:
.L_overlay_start_2:
0x43: {  	(tag) =	ssettag $0x2  }
0x44: {  	s0 =	rddreg [dreg:$0x0];
	s2 =	stileid.u32  }
0x45: {  	s1 =	rddreg [dreg:$0x1];
	p0 =	sne.s32 s2, $0x0  }
0x46: {  	s3 =	rddreg [dreg:$0x2];
	[bflag:$0x3] =	sbarrier.arrive $0xFFFF;
	s2 =	simm.s32 @!p0 $0x1C01  }
0x47: {  	[timem:s3], [sflag:s2] =	dma.local @!p0 [hbm:s0], s1  }
0x48: {  	s0 =	simm.s32 @!p0 $0x1  }
0x49: {  	_ =	swait.ge @!p0 [sflag:s0], s1  }
0x4a: {  	s1 =	ssub.s32 @!p0 $0x0, s1;
	[sflag:s0] =	ssyncset.done @!p0 $0x0  }
0x4b: {  	[sflag:s0] =	ssyncadd.s32 @!p0 s1  }
0x4c: {  	[bflag:$0x3] =	sbarrier.arrive $0xFFFF  }
0x4d: {  	_ =	shalt  }

</sc_bundles>
